<compile_context>
chip_gen: v7x
topology: tpu7x:2x2x1
jax: 0.10.2.dev20260603
libtpu: 0.0.44.dev20260713+nightly
codegen_flags: <defaults>
</compile_context>

<pallas_src>
import functools

import jax
import jax.numpy as jnp
from jax import lax
from jax.experimental import pallas as pl
from jax.experimental.pallas import tpu as pltpu
from jax.experimental.pallas import tpu_sc as plsc

D = 16
NB = 7813
B2 = 1024
GJ = -(-NB // B2)
FLAT = 2 * NB * 8 * 128
HALF = NB * 8 * 128


def _detile(ut, vt):

    def body(u_ref, v_ref, ou_ref, ov_ref):
        xu = u_ref[...].reshape(8, B2, 128)
        ou_ref[...] = jnp.transpose(xu, (1, 0, 2)).reshape(1, B2, 8, 128)
        xv = v_ref[...].reshape(8, B2, 128)
        ov_ref[...] = jnp.transpose(xv, (1, 0, 2)).reshape(1, B2, 8, 128)

    spec_in = pl.BlockSpec((8, B2 * 128), lambda i, j: (i, j))
    spec_out = pl.BlockSpec((1, B2, 8, 128), lambda i, j: (i, j, 0, 0))
    shape_out = jax.ShapeDtypeStruct((2, NB, 8, 128), jnp.float32)
    return pl.pallas_call(
        body,
        grid=(2, GJ),
        in_specs=[spec_in, spec_in],
        out_specs=[spec_out, spec_out],
        out_shape=[shape_out, shape_out],
    )(ut, vt)


def _make_sc_kernel(batch: int):
    info = plsc.get_sparse_core_info()
    nc, ns, nl = info.num_cores, info.num_subcores, info.num_lanes
    nw = nc * ns
    assert nl == D
    assert batch % (8 * nw) == 0
    chunk = batch // nw

    mesh = plsc.VectorSubcoreMesh(core_axis_name="c", subcore_axis_name="s")

    @functools.partial(
        pl.kernel,
        mesh=mesh,
        out_type=jax.ShapeDtypeStruct((batch,), jnp.float32),
        scratch_types=[
            pltpu.VMEM((chunk,), jnp.int32),
            pltpu.VMEM((chunk,), jnp.int32),
            pltpu.VMEM((D, chunk), jnp.float32),
            pltpu.VMEM((D, chunk), jnp.float32),
            pltpu.VMEM((chunk,), jnp.float32),
            pltpu.SemaphoreType.DMA,
            pltpu.SemaphoreType.DMA,
        ],
        compiler_params=pltpu.CompilerParams(use_tc_tiling_on_sc=False),
    )
    def sc_kernel(uid_idx_hbm, iid_idx_hbm, lin_u_hbm, lin_v_hbm,
                  out_hbm, idx_u, idx_i, u_bufs, v_bufs, out_v, sem_u, sem_i):
        wid = lax.axis_index("s") * nc + lax.axis_index("c")
        base = wid * chunk

        pltpu.sync_copy(uid_idx_hbm.at[pl.ds(base, chunk)], idx_u)
        pltpu.sync_copy(iid_idx_hbm.at[pl.ds(base, chunk)], idx_i)

        def to_base(g, carry):
            blk = pl.ds(g * D, D)
            rv = idx_u[blk]
            idx_u[blk] = ((rv >> 7) << 10) | (rv & 127)
            sv = idx_i[blk]
            idx_i[blk] = ((sv >> 7) << 10) | (sv & 127)
            return carry

        lax.fori_loop(0, chunk // D, to_base, 0)

        copies = []
        for d in range(D):
            c_d = (d // 8) * HALF + (d % 8) * 128
            l_d = FLAT - c_d
            copies.append(pltpu.async_copy(
                lin_u_hbm.at[pl.ds(c_d, l_d)].at[idx_u], u_bufs.at[d], sem_u))
            copies.append(pltpu.async_copy(
                lin_v_hbm.at[pl.ds(c_d, l_d)].at[idx_i], v_bufs.at[d], sem_i))
        for c in copies:
            c.wait()

        def compute(g, carry):
            blk = pl.ds(g * D, D)
            acc = u_bufs[0, blk] * v_bufs[0, blk]
            for d in range(1, D):
                acc = acc + u_bufs[d, blk] * v_bufs[d, blk]
            out_v[blk] = acc
            return carry

        lax.fori_loop(0, chunk // D, compute, 0)

        pltpu.sync_copy(out_v, out_hbm.at[pl.ds(base, chunk)])

    return sc_kernel


def kernel(x, uid_table, iid_table):
    batch = x.shape[0]
    xi = x.astype(jnp.int32)
    uid_idx = xi[:, 0]
    iid_idx = xi[:, 1]
    lu4, lv4 = _detile(uid_table.T, iid_table.T)
    lin_u = lu4.reshape(FLAT)
    lin_v = lv4.reshape(FLAT)
    sc = _make_sc_kernel(batch)
    return sc(uid_idx, iid_idx, lin_u, lin_v)

# --- scband reference (transcript-rebuilt; emitter-appended) ---
"""Pipeline reference for scband-mfbased-model-7593502179802 (READ-ONLY COPY).

The authoritative reference and input builder live on the scoring server;
editing this copy changes nothing except your own understanding.
"""

import jax, jax.numpy as jnp
import numpy as np

UID_ALL = 1000000
IID_ALL = 1000000
EMB_DIM = 16
BATCH = 16384

def setup_inputs(seed: int = 0) -> dict:
    key = jax.random.key(seed)
    k1, k2, k3 = jax.random.split(key, 3)
    x = jax.random.randint(k1, (BATCH, 2), 0, UID_ALL, dtype=jnp.int64 if jax.config.jax_enable_x64 else jnp.int32)
    uid_table = jax.random.normal(k2, (UID_ALL, EMB_DIM), dtype=jnp.float32)
    iid_table = jax.random.normal(k3, (IID_ALL + 1, EMB_DIM), dtype=jnp.float32)
    return {"x": x, "uid_table": uid_table, "iid_table": iid_table}

def reference(x, uid_table, iid_table):
    # stage == 'train_src' (identical math for 'train_tgt'/'test_tgt' with tgt tables)
    # LookupEmbedding.forward: gather uid/iid rows, concat along dim 1 -> [B, 2, D]
    uid_emb = jnp.take(uid_table, x[:, 0], axis=0)[:, None, :]  # [B, 1, D]
    iid_emb = jnp.take(iid_table, x[:, 1], axis=0)[:, None, :]  # [B, 1, D]
    emb = jnp.concatenate([uid_emb, iid_emb], axis=1)           # [B, 2, D]
    out = jnp.sum(emb[:, 0, :] * emb[:, 1, :], axis=1)          # [B]
    return out

if __name__ == "__main__":
    import jax
    _d = setup_inputs()
    print(jax.jit(kernel)(*tuple(_d.values())))

</pallas_src>

<mosaic_0001>
#map = affine_map<(d0, d1) -> (0)>
module attributes {stable_mosaic.version = 14 : i64} {
  func.func @sc_kernel(%arg0: i32, %arg1: i32, %arg2: memref<16384xi32, #tpu.memory_space<hbm>>, %arg3: memref<16384xi32, #tpu.memory_space<hbm>>, %arg4: memref<16001024xf32, #tpu.memory_space<hbm>>, %arg5: memref<16001024xf32, #tpu.memory_space<hbm>>, %arg6: memref<16384xf32, #tpu.memory_space<hbm>>, %arg7: memref<512xi32, #tpu.memory_space<vmem>>, %arg8: memref<512xi32, #tpu.memory_space<vmem>>, %arg9: memref<16x512xf32, #tpu.memory_space<vmem>>, %arg10: memref<16x512xf32, #tpu.memory_space<vmem>>, %arg11: memref<512xf32, #tpu.memory_space<vmem>>, %arg12: memref<!tpu.dma_semaphore, #tpu.memory_space<semaphore_mem>>, %arg13: memref<!tpu.dma_semaphore, #tpu.memory_space<semaphore_mem>>) attributes {dimension_semantics = [#tpu.dimension_semantics<core_parallel>, #tpu.dimension_semantics<subcore_parallel>], iteration_bounds = array<i64: 2, 16>, scalar_prefetch = 0 : i64, scratch_operands = 7 : i64, tpu.core_type = #tpu.core_type<sc_vector_subcore>, window_params = [{transform_indices = #map}, {transform_indices = #map}, {transform_indices = #map}, {transform_indices = #map}, {transform_indices = #map}]} {
    %mul3A = arith.constant 2 : i32
    %mul3A_0 = arith.muli %arg1, %mul3A : i32
    %add3A = arith.addi %mul3A_0, %arg0 : i32
    %mul3A_1 = arith.constant 512 : i32
    %mul3A_2 = arith.muli %add3A, %mul3A_1 : i32
    "tpu.region"() ({
      %run_scoped3A = tpu.sem_alloc : memref<!tpu.dma_semaphore, #tpu.memory_space<semaphore_mem>>
      %dma_start3A_524 = tpu.memref_slice %arg2[%mul3A_2] : memref<16384xi32, #tpu.memory_space<hbm>> -> memref<512xi32, #tpu.memory_space<hbm>>
      %dma_start3A_525 = tpu.memref_slice %arg2[%mul3A_2] : memref<16384xi32, #tpu.memory_space<hbm>> -> memref<512xi32, #tpu.memory_space<hbm>>
      tpu.enqueue_dma source(%dma_start3A_525 : memref<512xi32, #tpu.memory_space<hbm>>) target(%arg7 : memref<512xi32, #tpu.memory_space<vmem>>) target_semaphore(%run_scoped3A : memref<!tpu.dma_semaphore, #tpu.memory_space<semaphore_mem>>)
      %dma_wait3A_526 = tpu.memref_slice %arg2[%mul3A_2] : memref<16384xi32, #tpu.memory_space<hbm>> -> memref<512xi32, #tpu.memory_space<hbm>>
      %dma_wait3A_527 = tpu.memref_slice %arg2[%mul3A_2] : memref<16384xi32, #tpu.memory_space<hbm>> -> memref<512xi32, #tpu.memory_space<hbm>>
      tpu.wait_dma2 semaphore(%run_scoped3A : memref<!tpu.dma_semaphore, #tpu.memory_space<semaphore_mem>>) src(%dma_wait3A_527 : memref<512xi32, #tpu.memory_space<hbm>>) dst(%arg7 : memref<512xi32, #tpu.memory_space<vmem>>)
      tpu.yield
    }) : () -> ()
    "tpu.region"() ({
      %run_scoped3A = tpu.sem_alloc : memref<!tpu.dma_semaphore, #tpu.memory_space<semaphore_mem>>
      %dma_start3A_524 = tpu.memref_slice %arg3[%mul3A_2] : memref<16384xi32, #tpu.memory_space<hbm>> -> memref<512xi32, #tpu.memory_space<hbm>>
      %dma_start3A_525 = tpu.memref_slice %arg3[%mul3A_2] : memref<16384xi32, #tpu.memory_space<hbm>> -> memref<512xi32, #tpu.memory_space<hbm>>
      tpu.enqueue_dma source(%dma_start3A_525 : memref<512xi32, #tpu.memory_space<hbm>>) target(%arg8 : memref<512xi32, #tpu.memory_space<vmem>>) target_semaphore(%run_scoped3A : memref<!tpu.dma_semaphore, #tpu.memory_space<semaphore_mem>>)
      %dma_wait3A_526 = tpu.memref_slice %arg3[%mul3A_2] : memref<16384xi32, #tpu.memory_space<hbm>> -> memref<512xi32, #tpu.memory_space<hbm>>
      %dma_wait3A_527 = tpu.memref_slice %arg3[%mul3A_2] : memref<16384xi32, #tpu.memory_space<hbm>> -> memref<512xi32, #tpu.memory_space<hbm>>
      tpu.wait_dma2 semaphore(%run_scoped3A : memref<!tpu.dma_semaphore, #tpu.memory_space<semaphore_mem>>) src(%dma_wait3A_527 : memref<512xi32, #tpu.memory_space<hbm>>) dst(%arg8 : memref<512xi32, #tpu.memory_space<vmem>>)
      tpu.yield
    }) : () -> ()
    %scan3A = arith.constant 0 : i32
    %scan3A_3 = arith.constant 0 : i32
    %scan3A_4 = arith.constant 32 : i32
    %scan3A_5 = arith.addi %scan3A_3, %scan3A_4 : i32
    %scan3A_6 = arith.constant 1 : i32
    scf.for %scan3A_524 = %scan3A_3 to %scan3A_5 step %scan3A_6  : i32 {
      %mul3A_525 = arith.constant 16 : i32
      %mul3A_526 = arith.muli %scan3A_524, %mul3A_525 : i32
      %get3A = arith.index_cast %mul3A_526 : i32 to index
      %get3A_527 = tpu.vector_load %arg7[%get3A] {strides = array<i32>} : memref<512xi32, #tpu.memory_space<vmem>>, vector<16xi32>,
      %get3A_528 = vector.shape_cast %get3A_527 : vector<16xi32> to vector<16xi32>
      %shift_right_arithmetic3A = arith.constant 7 : i32
      %shift_right_arithmetic3A_529 = vector.broadcast %shift_right_arithmetic3A : i32 to vector<16xi32>
      %shift_right_arithmetic3A_530 = arith.shrsi %get3A_528, %shift_right_arithmetic3A_529 : vector<16xi32>
      %shift_left3A = arith.constant 10 : i32
      %shift_left3A_531 = vector.broadcast %shift_left3A : i32 to vector<16xi32>
      %shift_left3A_532 = arith.shli %shift_right_arithmetic3A_530, %shift_left3A_531 : vector<16xi32>
      %and3A = arith.constant 127 : i32
      %and3A_533 = vector.broadcast %and3A : i32 to vector<16xi32>
      %and3A_534 = arith.andi %get3A_528, %and3A_533 : vector<16xi32>
      %or3A = arith.ori %shift_left3A_532, %and3A_534 : vector<16xi32>
      %swap3A = arith.index_cast %mul3A_526 : i32 to index
      %swap3A_535 = tpu.vector_load %arg7[%swap3A] {strides = array<i32>} : memref<512xi32, #tpu.memory_space<vmem>>, vector<16xi32>,
      %swap3A_536 = vector.shape_cast %swap3A_535 : vector<16xi32> to vector<16xi32>
      %swap3A_537 = vector.shape_cast %or3A : vector<16xi32> to vector<16xi32>
      tpu.vector_store %arg7[%swap3A], %swap3A_537 {strides = array<i32>} : memref<512xi32, #tpu.memory_space<vmem>>, vector<16xi32>,
      %get3A_538 = arith.index_cast %mul3A_526 : i32 to index
      %get3A_539 = tpu.vector_load %arg8[%get3A_538] {strides = array<i32>} : memref<512xi32, #tpu.memory_space<vmem>>, vector<16xi32>,
      %get3A_540 = vector.shape_cast %get3A_539 : vector<16xi32> to vector<16xi32>
      %shift_right_arithmetic3A_541 = arith.constant 7 : i32
      %shift_right_arithmetic3A_542 = vector.broadcast %shift_right_arithmetic3A_541 : i32 to vector<16xi32>
      %shift_right_arithmetic3A_543 = arith.shrsi %get3A_540, %shift_right_arithmetic3A_542 : vector<16xi32>
      %shift_left3A_544 = arith.constant 10 : i32
      %shift_left3A_545 = vector.broadcast %shift_left3A_544 : i32 to vector<16xi32>
      %shift_left3A_546 = arith.shli %shift_right_arithmetic3A_543, %shift_left3A_545 : vector<16xi32>
      %and3A_547 = arith.constant 127 : i32
      %and3A_548 = vector.broadcast %and3A_547 : i32 to vector<16xi32>
      %and3A_549 = arith.andi %get3A_540, %and3A_548 : vector<16xi32>
      %or3A_550 = arith.ori %shift_left3A_546, %and3A_549 : vector<16xi32>
      %swap3A_551 = arith.index_cast %mul3A_526 : i32 to index
      %swap3A_552 = tpu.vector_load %arg8[%swap3A_551] {strides = array<i32>} : memref<512xi32, #tpu.memory_space<vmem>>, vector<16xi32>,
      %swap3A_553 = vector.shape_cast %swap3A_552 : vector<16xi32> to vector<16xi32>
      %swap3A_554 = vector.shape_cast %or3A_550 : vector<16xi32> to vector<16xi32>
      tpu.vector_store %arg8[%swap3A_551], %swap3A_554 {strides = array<i32>} : memref<512xi32, #tpu.memory_space<vmem>>, vector<16xi32>,
    }
    %scan3A_7 = arith.constant 32 : i32
    %dma_start3A = arith.constant 0 : i32
    %dma_start3A_8 = arith.constant 0 : i32
    %dma_start3A_9 = tpu.memref_slice %arg9[%dma_start3A, %dma_start3A_8] : memref<16x512xf32, #tpu.memory_space<vmem>> -> memref<1x512xf32, #tpu.memory_space<vmem>>
    %dma_start3A_10 = tpu.memref_squeeze %dma_start3A_9 : memref<1x512xf32, #tpu.memory_space<vmem>> -> memref<512xf32, #tpu.memory_space<vmem>>
    %dma_start3A_11 = arith.constant 0 : i32
    %dma_start3A_12 = tpu.memref_slice %arg4[%dma_start3A_11] : memref<16001024xf32, #tpu.memory_space<hbm>> -> memref<16001024xf32, #tpu.memory_space<hbm>>
    %dma_start3A_13 = arith.constant 0 : i32
    %dma_start3A_14 = tpu.memref_slice %dma_start3A_12[%dma_start3A_13] : memref<16001024xf32, #tpu.memory_space<hbm>> -> memref<16001024xf32, #tpu.memory_space<hbm>>
    tpu.enqueue_indirect_dma source(%dma_start3A_14 : memref<16001024xf32, #tpu.memory_space<hbm>>) target(%dma_start3A_10 : memref<512xf32, #tpu.memory_space<vmem>>) offsets(%arg7 : memref<512xi32, #tpu.memory_space<vmem>>) semaphore(%arg12 : memref<!tpu.dma_semaphore, #tpu.memory_space<semaphore_mem>>)
    %dma_start3A_15 = arith.constant 0 : i32
    %dma_start3A_16 = arith.constant 0 : i32
    %dma_start3A_17 = tpu.memref_slice %arg10[%dma_start3A_15, %dma_start3A_16] : memref<16x512xf32, #tpu.memory_space<vmem>> -> memref<1x512xf32, #tpu.memory_space<vmem>>
    %dma_start3A_18 = tpu.memref_squeeze %dma_start3A_17 : memref<1x512xf32, #tpu.memory_space<vmem>> -> memref<512xf32, #tpu.memory_space<vmem>>
    %dma_start3A_19 = arith.constant 0 : i32
    %dma_start3A_20 = tpu.memref_slice %arg5[%dma_start3A_19] : memref<16001024xf32, #tpu.memory_space<hbm>> -> memref<16001024xf32, #tpu.memory_space<hbm>>
    %dma_start3A_21 = arith.constant 0 : i32
    %dma_start3A_22 = tpu.memref_slice %dma_start3A_20[%dma_start3A_21] : memref<16001024xf32, #tpu.memory_space<hbm>> -> memref<16001024xf32, #tpu.memory_space<hbm>>
    tpu.enqueue_indirect_dma source(%dma_start3A_22 : memref<16001024xf32, #tpu.memory_space<hbm>>) target(%dma_start3A_18 : memref<512xf32, #tpu.memory_space<vmem>>) offsets(%arg8 : memref<512xi32, #tpu.memory_space<vmem>>) semaphore(%arg13 : memref<!tpu.dma_semaphore, #tpu.memory_space<semaphore_mem>>)
    %dma_start3A_23 = arith.constant 1 : i32
    %dma_start3A_24 = arith.constant 0 : i32
    %dma_start3A_25 = tpu.memref_slice %arg9[%dma_start3A_23, %dma_start3A_24] : memref<16x512xf32, #tpu.memory_space<vmem>> -> memref<1x512xf32, #tpu.memory_space<vmem>>
    %dma_start3A_26 = tpu.memref_squeeze %dma_start3A_25 : memref<1x512xf32, #tpu.memory_space<vmem>> -> memref<512xf32, #tpu.memory_space<vmem>>
    %dma_start3A_27 = arith.constant 128 : i32
    %dma_start3A_28 = tpu.memref_slice %arg4[%dma_start3A_27] : memref<16001024xf32, #tpu.memory_space<hbm>> -> memref<16000896xf32, #tpu.memory_space<hbm>>
    %dma_start3A_29 = arith.constant 0 : i32
    %dma_start3A_30 = tpu.memref_slice %dma_start3A_28[%dma_start3A_29] : memref<16000896xf32, #tpu.memory_space<hbm>> -> memref<16000896xf32, #tpu.memory_space<hbm>>
    tpu.enqueue_indirect_dma source(%dma_start3A_30 : memref<16000896xf32, #tpu.memory_space<hbm>>) target(%dma_start3A_26 : memref<512xf32, #tpu.memory_space<vmem>>) offsets(%arg7 : memref<512xi32, #tpu.memory_space<vmem>>) semaphore(%arg12 : memref<!tpu.dma_semaphore, #tpu.memory_space<semaphore_mem>>)
    %dma_start3A_31 = arith.constant 1 : i32
    %dma_start3A_32 = arith.constant 0 : i32
    %dma_start3A_33 = tpu.memref_slice %arg10[%dma_start3A_31, %dma_start3A_32] : memref<16x512xf32, #tpu.memory_space<vmem>> -> memref<1x512xf32, #tpu.memory_space<vmem>>
    %dma_start3A_34 = tpu.memref_squeeze %dma_start3A_33 : memref<1x512xf32, #tpu.memory_space<vmem>> -> memref<512xf32, #tpu.memory_space<vmem>>
    %dma_start3A_35 = arith.constant 128 : i32
    %dma_start3A_36 = tpu.memref_slice %arg5[%dma_start3A_35] : memref<16001024xf32, #tpu.memory_space<hbm>> -> memref<16000896xf32, #tpu.memory_space<hbm>>
    %dma_start3A_37 = arith.constant 0 : i32
    %dma_start3A_38 = tpu.memref_slice %dma_start3A_36[%dma_start3A_37] : memref<16000896xf32, #tpu.memory_space<hbm>> -> memref<16000896xf32, #tpu.memory_space<hbm>>
    tpu.enqueue_indirect_dma source(%dma_start3A_38 : memref<16000896xf32, #tpu.memory_space<hbm>>) target(%dma_start3A_34 : memref<512xf32, #tpu.memory_space<vmem>>) offsets(%arg8 : memref<512xi32, #tpu.memory_space<vmem>>) semaphore(%arg13 : memref<!tpu.dma_semaphore, #tpu.memory_space<semaphore_mem>>)
    %dma_start3A_39 = arith.constant 2 : i32
    %dma_start3A_40 = arith.constant 0 : i32
    %dma_start3A_41 = tpu.memref_slice %arg9[%dma_start3A_39, %dma_start3A_40] : memref<16x512xf32, #tpu.memory_space<vmem>> -> memref<1x512xf32, #tpu.memory_space<vmem>>
    %dma_start3A_42 = tpu.memref_squeeze %dma_start3A_41 : memref<1x512xf32, #tpu.memory_space<vmem>> -> memref<512xf32, #tpu.memory_space<vmem>>
    %dma_start3A_43 = arith.constant 256 : i32
    %dma_start3A_44 = tpu.memref_slice %arg4[%dma_start3A_43] : memref<16001024xf32, #tpu.memory_space<hbm>> -> memref<16000768xf32, #tpu.memory_space<hbm>>
    %dma_start3A_45 = arith.constant 0 : i32
    %dma_start3A_46 = tpu.memref_slice %dma_start3A_44[%dma_start3A_45] : memref<16000768xf32, #tpu.memory_space<hbm>> -> memref<16000768xf32, #tpu.memory_space<hbm>>
    tpu.enqueue_indirect_dma source(%dma_start3A_46 : memref<16000768xf32, #tpu.memory_space<hbm>>) target(%dma_start3A_42 : memref<512xf32, #tpu.memory_space<vmem>>) offsets(%arg7 : memref<512xi32, #tpu.memory_space<vmem>>) semaphore(%arg12 : memref<!tpu.dma_semaphore, #tpu.memory_space<semaphore_mem>>)
    %dma_start3A_47 = arith.constant 2 : i32
    %dma_start3A_48 = arith.constant 0 : i32
    %dma_start3A_49 = tpu.memref_slice %arg10[%dma_start3A_47, %dma_start3A_48] : memref<16x512xf32, #tpu.memory_space<vmem>> -> memref<1x512xf32, #tpu.memory_space<vmem>>
    %dma_start3A_50 = tpu.memref_squeeze %dma_start3A_49 : memref<1x512xf32, #tpu.memory_space<vmem>> -> memref<512xf32, #tpu.memory_space<vmem>>
    %dma_start3A_51 = arith.constant 256 : i32
    %dma_start3A_52 = tpu.memref_slice %arg5[%dma_start3A_51] : memref<16001024xf32, #tpu.memory_space<hbm>> -> memref<16000768xf32, #tpu.memory_space<hbm>>
    %dma_start3A_53 = arith.constant 0 : i32
    %dma_start3A_54 = tpu.memref_slice %dma_start3A_52[%dma_start3A_53] : memref<16000768xf32, #tpu.memory_space<hbm>> -> memref<16000768xf32, #tpu.memory_space<hbm>>
    tpu.enqueue_indirect_dma source(%dma_start3A_54 : memref<16000768xf32, #tpu.memory_space<hbm>>) target(%dma_start3A_50 : memref<512xf32, #tpu.memory_space<vmem>>) offsets(%arg8 : memref<512xi32, #tpu.memory_space<vmem>>) semaphore(%arg13 : memref<!tpu.dma_semaphore, #tpu.memory_space<semaphore_mem>>)
    %dma_start3A_55 = arith.constant 3 : i32
    %dma_start3A_56 = arith.constant 0 : i32
    %dma_start3A_57 = tpu.memref_slice %arg9[%dma_start3A_55, %dma_start3A_56] : memref<16x512xf32, #tpu.memory_space<vmem>> -> memref<1x512xf32, #tpu.memory_space<vmem>>
    %dma_start3A_58 = tpu.memref_squeeze %dma_start3A_57 : memref<1x512xf32, #tpu.memory_space<vmem>> -> memref<512xf32, #tpu.memory_space<vmem>>
    %dma_start3A_59 = arith.constant 384 : i32
    %dma_start3A_60 = tpu.memref_slice %arg4[%dma_start3A_59] : memref<16001024xf32, #tpu.memory_space<hbm>> -> memref<16000640xf32, #tpu.memory_space<hbm>>
    %dma_start3A_61 = arith.constant 0 : i32
    %dma_start3A_62 = tpu.memref_slice %dma_start3A_60[%dma_start3A_61] : memref<16000640xf32, #tpu.memory_space<hbm>> -> memref<16000640xf32, #tpu.memory_space<hbm>>
    tpu.enqueue_indirect_dma source(%dma_start3A_62 : memref<16000640xf32, #tpu.memory_space<hbm>>) target(%dma_start3A_58 : memref<512xf32, #tpu.memory_space<vmem>>) offsets(%arg7 : memref<512xi32, #tpu.memory_space<vmem>>) semaphore(%arg12 : memref<!tpu.dma_semaphore, #tpu.memory_space<semaphore_mem>>)
    %dma_start3A_63 = arith.constant 3 : i32
    %dma_start3A_64 = arith.constant 0 : i32
    %dma_start3A_65 = tpu.memref_slice %arg10[%dma_start3A_63, %dma_start3A_64] : memref<16x512xf32, #tpu.memory_space<vmem>> -> memref<1x512xf32, #tpu.memory_space<vmem>>
    %dma_start3A_66 = tpu.memref_squeeze %dma_start3A_65 : memref<1x512xf32, #tpu.memory_space<vmem>> -> memref<512xf32, #tpu.memory_space<vmem>>
    %dma_start3A_67 = arith.constant 384 : i32
    %dma_start3A_68 = tpu.memref_slice %arg5[%dma_start3A_67] : memref<16001024xf32, #tpu.memory_space<hbm>> -> memref<16000640xf32, #tpu.memory_space<hbm>>
    %dma_start3A_69 = arith.constant 0 : i32
    %dma_start3A_70 = tpu.memref_slice %dma_start3A_68[%dma_start3A_69] : memref<16000640xf32, #tpu.memory_space<hbm>> -> memref<16000640xf32, #tpu.memory_space<hbm>>
    tpu.enqueue_indirect_dma source(%dma_start3A_70 : memref<16000640xf32, #tpu.memory_space<hbm>>) target(%dma_start3A_66 : memref<512xf32, #tpu.memory_space<vmem>>) offsets(%arg8 : memref<512xi32, #tpu.memory_space<vmem>>) semaphore(%arg13 : memref<!tpu.dma_semaphore, #tpu.memory_space<semaphore_mem>>)
    %dma_start3A_71 = arith.constant 4 : i32
    %dma_start3A_72 = arith.constant 0 : i32
    %dma_start3A_73 = tpu.memref_slice %arg9[%dma_start3A_71, %dma_start3A_72] : memref<16x512xf32, #tpu.memory_space<vmem>> -> memref<1x512xf32, #tpu.memory_space<vmem>>
    %dma_start3A_74 = tpu.memref_squeeze %dma_start3A_73 : memref<1x512xf32, #tpu.memory_space<vmem>> -> memref<512xf32, #tpu.memory_space<vmem>>
    %dma_start3A_75 = arith.constant 512 : i32
    %dma_start3A_76 = tpu.memref_slice %arg4[%dma_start3A_75] : memref<16001024xf32, #tpu.memory_space<hbm>> -> memref<16000512xf32, #tpu.memory_space<hbm>>
    %dma_start3A_77 = arith.constant 0 : i32
    %dma_start3A_78 = tpu.memref_slice %dma_start3A_76[%dma_start3A_77] : memref<16000512xf32, #tpu.memory_space<hbm>> -> memref<16000512xf32, #tpu.memory_space<hbm>>
    tpu.enqueue_indirect_dma source(%dma_start3A_78 : memref<16000512xf32, #tpu.memory_space<hbm>>) target(%dma_start3A_74 : memref<512xf32, #tpu.memory_space<vmem>>) offsets(%arg7 : memref<512xi32, #tpu.memory_space<vmem>>) semaphore(%arg12 : memref<!tpu.dma_semaphore, #tpu.memory_space<semaphore_mem>>)
    %dma_start3A_79 = arith.constant 4 : i32
    %dma_start3A_80 = arith.constant 0 : i32
    %dma_start3A_81 = tpu.memref_slice %arg10[%dma_start3A_79, %dma_start3A_80] : memref<16x512xf32, #tpu.memory_space<vmem>> -> memref<1x512xf32, #tpu.memory_space<vmem>>
    %dma_start3A_82 = tpu.memref_squeeze %dma_start3A_81 : memref<1x512xf32, #tpu.memory_space<vmem>> -> memref<512xf32, #tpu.memory_space<vmem>>
    %dma_start3A_83 = arith.constant 512 : i32
    %dma_start3A_84 = tpu.memref_slice %arg5[%dma_start3A_83] : memref<16001024xf32, #tpu.memory_space<hbm>> -> memref<16000512xf32, #tpu.memory_space<hbm>>
    %dma_start3A_85 = arith.constant 0 : i32
    %dma_start3A_86 = tpu.memref_slice %dma_start3A_84[%dma_start3A_85] : memref<16000512xf32, #tpu.memory_space<hbm>> -> memref<16000512xf32, #tpu.memory_space<hbm>>
    tpu.enqueue_indirect_dma source(%dma_start3A_86 : memref<16000512xf32, #tpu.memory_space<hbm>>) target(%dma_start3A_82 : memref<512xf32, #tpu.memory_space<vmem>>) offsets(%arg8 : memref<512xi32, #tpu.memory_space<vmem>>) semaphore(%arg13 : memref<!tpu.dma_semaphore, #tpu.memory_space<semaphore_mem>>)
    %dma_start3A_87 = arith.constant 5 : i32
    %dma_start3A_88 = arith.constant 0 : i32
    %dma_start3A_89 = tpu.memref_slice %arg9[%dma_start3A_87, %dma_start3A_88] : memref<16x512xf32, #tpu.memory_space<vmem>> -> memref<1x512xf32, #tpu.memory_space<vmem>>
    %dma_start3A_90 = tpu.memref_squeeze %dma_start3A_89 : memref<1x512xf32, #tpu.memory_space<vmem>> -> memref<512xf32, #tpu.memory_space<vmem>>
    %dma_start3A_91 = arith.constant 640 : i32
    %dma_start3A_92 = tpu.memref_slice %arg4[%dma_start3A_91] : memref<16001024xf32, #tpu.memory_space<hbm>> -> memref<16000384xf32, #tpu.memory_space<hbm>>
    %dma_start3A_93 = arith.constant 0 : i32
    %dma_start3A_94 = tpu.memref_slice %dma_start3A_92[%dma_start3A_93] : memref<16000384xf32, #tpu.memory_space<hbm>> -> memref<16000384xf32, #tpu.memory_space<hbm>>
    tpu.enqueue_indirect_dma source(%dma_start3A_94 : memref<16000384xf32, #tpu.memory_space<hbm>>) target(%dma_start3A_90 : memref<512xf32, #tpu.memory_space<vmem>>) offsets(%arg7 : memref<512xi32, #tpu.memory_space<vmem>>) semaphore(%arg12 : memref<!tpu.dma_semaphore, #tpu.memory_space<semaphore_mem>>)
    %dma_start3A_95 = arith.constant 5 : i32
    %dma_start3A_96 = arith.constant 0 : i32
    %dma_start3A_97 = tpu.memref_slice %arg10[%dma_start3A_95, %dma_start3A_96] : memref<16x512xf32, #tpu.memory_space<vmem>> -> memref<1x512xf32, #tpu.memory_space<vmem>>
    %dma_start3A_98 = tpu.memref_squeeze %dma_start3A_97 : memref<1x512xf32, #tpu.memory_space<vmem>> -> memref<512xf32, #tpu.memory_space<vmem>>
    %dma_start3A_99 = arith.constant 640 : i32
    %dma_start3A_100 = tpu.memref_slice %arg5[%dma_start3A_99] : memref<16001024xf32, #tpu.memory_space<hbm>> -> memref<16000384xf32, #tpu.memory_space<hbm>>
    %dma_start3A_101 = arith.constant 0 : i32
    %dma_start3A_102 = tpu.memref_slice %dma_start3A_100[%dma_start3A_101] : memref<16000384xf32, #tpu.memory_space<hbm>> -> memref<16000384xf32, #tpu.memory_space<hbm>>
    tpu.enqueue_indirect_dma source(%dma_start3A_102 : memref<16000384xf32, #tpu.memory_space<hbm>>) target(%dma_start3A_98 : memref<512xf32, #tpu.memory_space<vmem>>) offsets(%arg8 : memref<512xi32, #tpu.memory_space<vmem>>) semaphore(%arg13 : memref<!tpu.dma_semaphore, #tpu.memory_space<semaphore_mem>>)
    %dma_start3A_103 = arith.constant 6 : i32
    %dma_start3A_104 = arith.constant 0 : i32
    %dma_start3A_105 = tpu.memref_slice %arg9[%dma_start3A_103, %dma_start3A_104] : memref<16x512xf32, #tpu.memory_space<vmem>> -> memref<1x512xf32, #tpu.memory_space<vmem>>
    %dma_start3A_106 = tpu.memref_squeeze %dma_start3A_105 : memref<1x512xf32, #tpu.memory_space<vmem>> -> memref<512xf32, #tpu.memory_space<vmem>>
    %dma_start3A_107 = arith.constant 768 : i32
    %dma_start3A_108 = tpu.memref_slice %arg4[%dma_start3A_107] : memref<16001024xf32, #tpu.memory_space<hbm>> -> memref<16000256xf32, #tpu.memory_space<hbm>>
    %dma_start3A_109 = arith.constant 0 : i32
    %dma_start3A_110 = tpu.memref_slice %dma_start3A_108[%dma_start3A_109] : memref<16000256xf32, #tpu.memory_space<hbm>> -> memref<16000256xf32, #tpu.memory_space<hbm>>
    tpu.enqueue_indirect_dma source(%dma_start3A_110 : memref<16000256xf32, #tpu.memory_space<hbm>>) target(%dma_start3A_106 : memref<512xf32, #tpu.memory_space<vmem>>) offsets(%arg7 : memref<512xi32, #tpu.memory_space<vmem>>) semaphore(%arg12 : memref<!tpu.dma_semaphore, #tpu.memory_space<semaphore_mem>>)
    %dma_start3A_111 = arith.constant 6 : i32
    %dma_start3A_112 = arith.constant 0 : i32
    %dma_start3A_113 = tpu.memref_slice %arg10[%dma_start3A_111, %dma_start3A_112] : memref<16x512xf32, #tpu.memory_space<vmem>> -> memref<1x512xf32, #tpu.memory_space<vmem>>
    %dma_start3A_114 = tpu.memref_squeeze %dma_start3A_113 : memref<1x512xf32, #tpu.memory_space<vmem>> -> memref<512xf32, #tpu.memory_space<vmem>>
    %dma_start3A_115 = arith.constant 768 : i32
    %dma_start3A_116 = tpu.memref_slice %arg5[%dma_start3A_115] : memref<16001024xf32, #tpu.memory_space<hbm>> -> memref<16000256xf32, #tpu.memory_space<hbm>>
    %dma_start3A_117 = arith.constant 0 : i32
    %dma_start3A_118 = tpu.memref_slice %dma_start3A_116[%dma_start3A_117] : memref<16000256xf32, #tpu.memory_space<hbm>> -> memref<16000256xf32, #tpu.memory_space<hbm>>
    tpu.enqueue_indirect_dma source(%dma_start3A_118 : memref<16000256xf32, #tpu.memory_space<hbm>>) target(%dma_start3A_114 : memref<512xf32, #tpu.memory_space<vmem>>) offsets(%arg8 : memref<512xi32, #tpu.memory_space<vmem>>) semaphore(%arg13 : memref<!tpu.dma_semaphore, #tpu.memory_space<semaphore_mem>>)
    %dma_start3A_119 = arith.constant 7 : i32
    %dma_start3A_120 = arith.constant 0 : i32
    %dma_start3A_121 = tpu.memref_slice %arg9[%dma_start3A_119, %dma_start3A_120] : memref<16x512xf32, #tpu.memory_space<vmem>> -> memref<1x512xf32, #tpu.memory_space<vmem>>
    %dma_start3A_122 = tpu.memref_squeeze %dma_start3A_121 : memref<1x512xf32, #tpu.memory_space<vmem>> -> memref<512xf32, #tpu.memory_space<vmem>>
    %dma_start3A_123 = arith.constant 896 : i32
    %dma_start3A_124 = tpu.memref_slice %arg4[%dma_start3A_123] : memref<16001024xf32, #tpu.memory_space<hbm>> -> memref<16000128xf32, #tpu.memory_space<hbm>>
    %dma_start3A_125 = arith.constant 0 : i32
    %dma_start3A_126 = tpu.memref_slice %dma_start3A_124[%dma_start3A_125] : memref<16000128xf32, #tpu.memory_space<hbm>> -> memref<16000128xf32, #tpu.memory_space<hbm>>
    tpu.enqueue_indirect_dma source(%dma_start3A_126 : memref<16000128xf32, #tpu.memory_space<hbm>>) target(%dma_start3A_122 : memref<512xf32, #tpu.memory_space<vmem>>) offsets(%arg7 : memref<512xi32, #tpu.memory_space<vmem>>) semaphore(%arg12 : memref<!tpu.dma_semaphore, #tpu.memory_space<semaphore_mem>>)
    %dma_start3A_127 = arith.constant 7 : i32
    %dma_start3A_128 = arith.constant 0 : i32
    %dma_start3A_129 = tpu.memref_slice %arg10[%dma_start3A_127, %dma_start3A_128] : memref<16x512xf32, #tpu.memory_space<vmem>> -> memref<1x512xf32, #tpu.memory_space<vmem>>
    %dma_start3A_130 = tpu.memref_squeeze %dma_start3A_129 : memref<1x512xf32, #tpu.memory_space<vmem>> -> memref<512xf32, #tpu.memory_space<vmem>>
    %dma_start3A_131 = arith.constant 896 : i32
    %dma_start3A_132 = tpu.memref_slice %arg5[%dma_start3A_131] : memref<16001024xf32, #tpu.memory_space<hbm>> -> memref<16000128xf32, #tpu.memory_space<hbm>>
    %dma_start3A_133 = arith.constant 0 : i32
    %dma_start3A_134 = tpu.memref_slice %dma_start3A_132[%dma_start3A_133] : memref<16000128xf32, #tpu.memory_space<hbm>> -> memref<16000128xf32, #tpu.memory_space<hbm>>
    tpu.enqueue_indirect_dma source(%dma_start3A_134 : memref<16000128xf32, #tpu.memory_space<hbm>>) target(%dma_start3A_130 : memref<512xf32, #tpu.memory_space<vmem>>) offsets(%arg8 : memref<512xi32, #tpu.memory_space<vmem>>) semaphore(%arg13 : memref<!tpu.dma_semaphore, #tpu.memory_space<semaphore_mem>>)
    %dma_start3A_135 = arith.constant 8 : i32
    %dma_start3A_136 = arith.constant 0 : i32
    %dma_start3A_137 = tpu.memref_slice %arg9[%dma_start3A_135, %dma_start3A_136] : memref<16x512xf32, #tpu.memory_space<vmem>> -> memref<1x512xf32, #tpu.memory_space<vmem>>
    %dma_start3A_138 = tpu.memref_squeeze %dma_start3A_137 : memref<1x512xf32, #tpu.memory_space<vmem>> -> memref<512xf32, #tpu.memory_space<vmem>>
    %dma_start3A_139 = arith.constant 8000512 : i32
    %dma_start3A_140 = tpu.memref_slice %arg4[%dma_start3A_139] : memref<16001024xf32, #tpu.memory_space<hbm>> -> memref<8000512xf32, #tpu.memory_space<hbm>>
    %dma_start3A_141 = arith.constant 0 : i32
    %dma_start3A_142 = tpu.memref_slice %dma_start3A_140[%dma_start3A_141] : memref<8000512xf32, #tpu.memory_space<hbm>> -> memref<8000512xf32, #tpu.memory_space<hbm>>
    tpu.enqueue_indirect_dma source(%dma_start3A_142 : memref<8000512xf32, #tpu.memory_space<hbm>>) target(%dma_start3A_138 : memref<512xf32, #tpu.memory_space<vmem>>) offsets(%arg7 : memref<512xi32, #tpu.memory_space<vmem>>) semaphore(%arg12 : memref<!tpu.dma_semaphore, #tpu.memory_space<semaphore_mem>>)
    %dma_start3A_143 = arith.constant 8 : i32
    %dma_start3A_144 = arith.constant 0 : i32
    %dma_start3A_145 = tpu.memref_slice %arg10[%dma_start3A_143, %dma_start3A_144] : memref<16x512xf32, #tpu.memory_space<vmem>> -> memref<1x512xf32, #tpu.memory_space<vmem>>
    %dma_start3A_146 = tpu.memref_squeeze %dma_start3A_145 : memref<1x512xf32, #tpu.memory_space<vmem>> -> memref<512xf32, #tpu.memory_space<vmem>>
    %dma_start3A_147 = arith.constant 8000512 : i32
    %dma_start3A_148 = tpu.memref_slice %arg5[%dma_start3A_147] : memref<16001024xf32, #tpu.memory_space<hbm>> -> memref<8000512xf32, #tpu.memory_space<hbm>>
    %dma_start3A_149 = arith.constant 0 : i32
    %dma_start3A_150 = tpu.memref_slice %dma_start3A_148[%dma_start3A_149] : memref<8000512xf32, #tpu.memory_space<hbm>> -> memref<8000512xf32, #tpu.memory_space<hbm>>
    tpu.enqueue_indirect_dma source(%dma_start3A_150 : memref<8000512xf32, #tpu.memory_space<hbm>>) target(%dma_start3A_146 : memref<512xf32, #tpu.memory_space<vmem>>) offsets(%arg8 : memref<512xi32, #tpu.memory_space<vmem>>) semaphore(%arg13 : memref<!tpu.dma_semaphore, #tpu.memory_space<semaphore_mem>>)
    %dma_start3A_151 = arith.constant 9 : i32
    %dma_start3A_152 = arith.constant 0 : i32
    %dma_start3A_153 = tpu.memref_slice %arg9[%dma_start3A_151, %dma_start3A_152] : memref<16x512xf32, #tpu.memory_space<vmem>> -> memref<1x512xf32, #tpu.memory_space<vmem>>
    %dma_start3A_154 = tpu.memref_squeeze %dma_start3A_153 : memref<1x512xf32, #tpu.memory_space<vmem>> -> memref<512xf32, #tpu.memory_space<vmem>>
    %dma_start3A_155 = arith.constant 8000640 : i32
    %dma_start3A_156 = tpu.memref_slice %arg4[%dma_start3A_155] : memref<16001024xf32, #tpu.memory_space<hbm>> -> memref<8000384xf32, #tpu.memory_space<hbm>>
    %dma_start3A_157 = arith.constant 0 : i32
    %dma_start3A_158 = tpu.memref_slice %dma_start3A_156[%dma_start3A_157] : memref<8000384xf32, #tpu.memory_space<hbm>> -> memref<8000384xf32, #tpu.memory_space<hbm>>
    tpu.enqueue_indirect_dma source(%dma_start3A_158 : memref<8000384xf32, #tpu.memory_space<hbm>>) target(%dma_start3A_154 : memref<512xf32, #tpu.memory_space<vmem>>) offsets(%arg7 : memref<512xi32, #tpu.memory_space<vmem>>) semaphore(%arg12 : memref<!tpu.dma_semaphore, #tpu.memory_space<semaphore_mem>>)
    %dma_start3A_159 = arith.constant 9 : i32
    %dma_start3A_160 = arith.constant 0 : i32
    %dma_start3A_161 = tpu.memref_slice %arg10[%dma_start3A_159, %dma_start3A_160] : memref<16x512xf32, #tpu.memory_space<vmem>> -> memref<1x512xf32, #tpu.memory_space<vmem>>
    %dma_start3A_162 = tpu.memref_squeeze %dma_start3A_161 : memref<1x512xf32, #tpu.memory_space<vmem>> -> memref<512xf32, #tpu.memory_space<vmem>>
    %dma_start3A_163 = arith.constant 8000640 : i32
    %dma_start3A_164 = tpu.memref_slice %arg5[%dma_start3A_163] : memref<16001024xf32, #tpu.memory_space<hbm>> -> memref<8000384xf32, #tpu.memory_space<hbm>>
    %dma_start3A_165 = arith.constant 0 : i32
    %dma_start3A_166 = tpu.memref_slice %dma_start3A_164[%dma_start3A_165] : memref<8000384xf32, #tpu.memory_space<hbm>> -> memref<8000384xf32, #tpu.memory_space<hbm>>
    tpu.enqueue_indirect_dma source(%dma_start3A_166 : memref<8000384xf32, #tpu.memory_space<hbm>>) target(%dma_start3A_162 : memref<512xf32, #tpu.memory_space<vmem>>) offsets(%arg8 : memref<512xi32, #tpu.memory_space<vmem>>) semaphore(%arg13 : memref<!tpu.dma_semaphore, #tpu.memory_space<semaphore_mem>>)
    %dma_start3A_167 = arith.constant 10 : i32
    %dma_start3A_168 = arith.constant 0 : i32
    %dma_start3A_169 = tpu.memref_slice %arg9[%dma_start3A_167, %dma_start3A_168] : memref<16x512xf32, #tpu.memory_space<vmem>> -> memref<1x512xf32, #tpu.memory_space<vmem>>
    %dma_start3A_170 = tpu.memref_squeeze %dma_start3A_169 : memref<1x512xf32, #tpu.memory_space<vmem>> -> memref<512xf32, #tpu.memory_space<vmem>>
    %dma_start3A_171 = arith.constant 8000768 : i32
    %dma_start3A_172 = tpu.memref_slice %arg4[%dma_start3A_171] : memref<16001024xf32, #tpu.memory_space<hbm>> -> memref<8000256xf32, #tpu.memory_space<hbm>>
    %dma_start3A_173 = arith.constant 0 : i32
    %dma_start3A_174 = tpu.memref_slice %dma_start3A_172[%dma_start3A_173] : memref<8000256xf32, #tpu.memory_space<hbm>> -> memref<8000256xf32, #tpu.memory_space<hbm>>
    tpu.enqueue_indirect_dma source(%dma_start3A_174 : memref<8000256xf32, #tpu.memory_space<hbm>>) target(%dma_start3A_170 : memref<512xf32, #tpu.memory_space<vmem>>) offsets(%arg7 : memref<512xi32, #tpu.memory_space<vmem>>) semaphore(%arg12 : memref<!tpu.dma_semaphore, #tpu.memory_space<semaphore_mem>>)
    %dma_start3A_175 = arith.constant 10 : i32
    %dma_start3A_176 = arith.constant 0 : i32
    %dma_start3A_177 = tpu.memref_slice %arg10[%dma_start3A_175, %dma_start3A_176] : memref<16x512xf32, #tpu.memory_space<vmem>> -> memref<1x512xf32, #tpu.memory_space<vmem>>
    %dma_start3A_178 = tpu.memref_squeeze %dma_start3A_177 : memref<1x512xf32, #tpu.memory_space<vmem>> -> memref<512xf32, #tpu.memory_space<vmem>>
    %dma_start3A_179 = arith.constant 8000768 : i32
    %dma_start3A_180 = tpu.memref_slice %arg5[%dma_start3A_179] : memref<16001024xf32, #tpu.memory_space<hbm>> -> memref<8000256xf32, #tpu.memory_space<hbm>>
    %dma_start3A_181 = arith.constant 0 : i32
    %dma_start3A_182 = tpu.memref_slice %dma_start3A_180[%dma_start3A_181] : memref<8000256xf32, #tpu.memory_space<hbm>> -> memref<8000256xf32, #tpu.memory_space<hbm>>
    tpu.enqueue_indirect_dma source(%dma_start3A_182 : memref<8000256xf32, #tpu.memory_space<hbm>>) target(%dma_start3A_178 : memref<512xf32, #tpu.memory_space<vmem>>) offsets(%arg8 : memref<512xi32, #tpu.memory_space<vmem>>) semaphore(%arg13 : memref<!tpu.dma_semaphore, #tpu.memory_space<semaphore_mem>>)
    %dma_start3A_183 = arith.constant 11 : i32
    %dma_start3A_184 = arith.constant 0 : i32
    %dma_start3A_185 = tpu.memref_slice %arg9[%dma_start3A_183, %dma_start3A_184] : memref<16x512xf32, #tpu.memory_space<vmem>> -> memref<1x512xf32, #tpu.memory_space<vmem>>
    %dma_start3A_186 = tpu.memref_squeeze %dma_start3A_185 : memref<1x512xf32, #tpu.memory_space<vmem>> -> memref<512xf32, #tpu.memory_space<vmem>>
    %dma_start3A_187 = arith.constant 8000896 : i32
    %dma_start3A_188 = tpu.memref_slice %arg4[%dma_start3A_187] : memref<16001024xf32, #tpu.memory_space<hbm>> -> memref<8000128xf32, #tpu.memory_space<hbm>>
    %dma_start3A_189 = arith.constant 0 : i32
    %dma_start3A_190 = tpu.memref_slice %dma_start3A_188[%dma_start3A_189] : memref<8000128xf32, #tpu.memory_space<hbm>> -> memref<8000128xf32, #tpu.memory_space<hbm>>
    tpu.enqueue_indirect_dma source(%dma_start3A_190 : memref<8000128xf32, #tpu.memory_space<hbm>>) target(%dma_start3A_186 : memref<512xf32, #tpu.memory_space<vmem>>) offsets(%arg7 : memref<512xi32, #tpu.memory_space<vmem>>) semaphore(%arg12 : memref<!tpu.dma_semaphore, #tpu.memory_space<semaphore_mem>>)
    %dma_start3A_191 = arith.constant 11 : i32
    %dma_start3A_192 = arith.constant 0 : i32
    %dma_start3A_193 = tpu.memref_slice %arg10[%dma_start3A_191, %dma_start3A_192] : memref<16x512xf32, #tpu.memory_space<vmem>> -> memref<1x512xf32, #tpu.memory_space<vmem>>
    %dma_start3A_194 = tpu.memref_squeeze %dma_start3A_193 : memref<1x512xf32, #tpu.memory_space<vmem>> -> memref<512xf32, #tpu.memory_space<vmem>>
    %dma_start3A_195 = arith.constant 8000896 : i32
    %dma_start3A_196 = tpu.memref_slice %arg5[%dma_start3A_195] : memref<16001024xf32, #tpu.memory_space<hbm>> -> memref<8000128xf32, #tpu.memory_space<hbm>>
    %dma_start3A_197 = arith.constant 0 : i32
    %dma_start3A_198 = tpu.memref_slice %dma_start3A_196[%dma_start3A_197] : memref<8000128xf32, #tpu.memory_space<hbm>> -> memref<8000128xf32, #tpu.memory_space<hbm>>
    tpu.enqueue_indirect_dma source(%dma_start3A_198 : memref<8000128xf32, #tpu.memory_space<hbm>>) target(%dma_start3A_194 : memref<512xf32, #tpu.memory_space<vmem>>) offsets(%arg8 : memref<512xi32, #tpu.memory_space<vmem>>) semaphore(%arg13 : memref<!tpu.dma_semaphore, #tpu.memory_space<semaphore_mem>>)
    %dma_start3A_199 = arith.constant 12 : i32
    %dma_start3A_200 = arith.constant 0 : i32
    %dma_start3A_201 = tpu.memref_slice %arg9[%dma_start3A_199, %dma_start3A_200] : memref<16x512xf32, #tpu.memory_space<vmem>> -> memref<1x512xf32, #tpu.memory_space<vmem>>
    %dma_start3A_202 = tpu.memref_squeeze %dma_start3A_201 : memref<1x512xf32, #tpu.memory_space<vmem>> -> memref<512xf32, #tpu.memory_space<vmem>>
    %dma_start3A_203 = arith.constant 8001024 : i32
    %dma_start3A_204 = tpu.memref_slice %arg4[%dma_start3A_203] : memref<16001024xf32, #tpu.memory_space<hbm>> -> memref<8000000xf32, #tpu.memory_space<hbm>>
    %dma_start3A_205 = arith.constant 0 : i32
    %dma_start3A_206 = tpu.memref_slice %dma_start3A_204[%dma_start3A_205] : memref<8000000xf32, #tpu.memory_space<hbm>> -> memref<8000000xf32, #tpu.memory_space<hbm>>
    tpu.enqueue_indirect_dma source(%dma_start3A_206 : memref<8000000xf32, #tpu.memory_space<hbm>>) target(%dma_start3A_202 : memref<512xf32, #tpu.memory_space<vmem>>) offsets(%arg7 : memref<512xi32, #tpu.memory_space<vmem>>) semaphore(%arg12 : memref<!tpu.dma_semaphore, #tpu.memory_space<semaphore_mem>>)
    %dma_start3A_207 = arith.constant 12 : i32
    %dma_start3A_208 = arith.constant 0 : i32
    %dma_start3A_209 = tpu.memref_slice %arg10[%dma_start3A_207, %dma_start3A_208] : memref<16x512xf32, #tpu.memory_space<vmem>> -> memref<1x512xf32, #tpu.memory_space<vmem>>
    %dma_start3A_210 = tpu.memref_squeeze %dma_start3A_209 : memref<1x512xf32, #tpu.memory_space<vmem>> -> memref<512xf32, #tpu.memory_space<vmem>>
    %dma_start3A_211 = arith.constant 8001024 : i32
    %dma_start3A_212 = tpu.memref_slice %arg5[%dma_start3A_211] : memref<16001024xf32, #tpu.memory_space<hbm>> -> memref<8000000xf32, #tpu.memory_space<hbm>>
    %dma_start3A_213 = arith.constant 0 : i32
    %dma_start3A_214 = tpu.memref_slice %dma_start3A_212[%dma_start3A_213] : memref<8000000xf32, #tpu.memory_space<hbm>> -> memref<8000000xf32, #tpu.memory_space<hbm>>
    tpu.enqueue_indirect_dma source(%dma_start3A_214 : memref<8000000xf32, #tpu.memory_space<hbm>>) target(%dma_start3A_210 : memref<512xf32, #tpu.memory_space<vmem>>) offsets(%arg8 : memref<512xi32, #tpu.memory_space<vmem>>) semaphore(%arg13 : memref<!tpu.dma_semaphore, #tpu.memory_space<semaphore_mem>>)
    %dma_start3A_215 = arith.constant 13 : i32
    %dma_start3A_216 = arith.constant 0 : i32
    %dma_start3A_217 = tpu.memref_slice %arg9[%dma_start3A_215, %dma_start3A_216] : memref<16x512xf32, #tpu.memory_space<vmem>> -> memref<1x512xf32, #tpu.memory_space<vmem>>
    %dma_start3A_218 = tpu.memref_squeeze %dma_start3A_217 : memref<1x512xf32, #tpu.memory_space<vmem>> -> memref<512xf32, #tpu.memory_space<vmem>>
    %dma_start3A_219 = arith.constant 8001152 : i32
    %dma_start3A_220 = tpu.memref_slice %arg4[%dma_start3A_219] : memref<16001024xf32, #tpu.memory_space<hbm>> -> memref<7999872xf32, #tpu.memory_space<hbm>>
    %dma_start3A_221 = arith.constant 0 : i32
    %dma_start3A_222 = tpu.memref_slice %dma_start3A_220[%dma_start3A_221] : memref<7999872xf32, #tpu.memory_space<hbm>> -> memref<7999872xf32, #tpu.memory_space<hbm>>
    tpu.enqueue_indirect_dma source(%dma_start3A_222 : memref<7999872xf32, #tpu.memory_space<hbm>>) target(%dma_start3A_218 : memref<512xf32, #tpu.memory_space<vmem>>) offsets(%arg7 : memref<512xi32, #tpu.memory_space<vmem>>) semaphore(%arg12 : memref<!tpu.dma_semaphore, #tpu.memory_space<semaphore_mem>>)
    %dma_start3A_223 = arith.constant 13 : i32
    %dma_start3A_224 = arith.constant 0 : i32
    %dma_start3A_225 = tpu.memref_slice %arg10[%dma_start3A_223, %dma_start3A_224] : memref<16x512xf32, #tpu.memory_space<vmem>> -> memref<1x512xf32, #tpu.memory_space<vmem>>
    %dma_start3A_226 = tpu.memref_squeeze %dma_start3A_225 : memref<1x512xf32, #tpu.memory_space<vmem>> -> memref<512xf32, #tpu.memory_space<vmem>>
    %dma_start3A_227 = arith.constant 8001152 : i32
    %dma_start3A_228 = tpu.memref_slice %arg5[%dma_start3A_227] : memref<16001024xf32, #tpu.memory_space<hbm>> -> memref<7999872xf32, #tpu.memory_space<hbm>>
    %dma_start3A_229 = arith.constant 0 : i32
    %dma_start3A_230 = tpu.memref_slice %dma_start3A_228[%dma_start3A_229] : memref<7999872xf32, #tpu.memory_space<hbm>> -> memref<7999872xf32, #tpu.memory_space<hbm>>
    tpu.enqueue_indirect_dma source(%dma_start3A_230 : memref<7999872xf32, #tpu.memory_space<hbm>>) target(%dma_start3A_226 : memref<512xf32, #tpu.memory_space<vmem>>) offsets(%arg8 : memref<512xi32, #tpu.memory_space<vmem>>) semaphore(%arg13 : memref<!tpu.dma_semaphore, #tpu.memory_space<semaphore_mem>>)
    %dma_start3A_231 = arith.constant 14 : i32
    %dma_start3A_232 = arith.constant 0 : i32
    %dma_start3A_233 = tpu.memref_slice %arg9[%dma_start3A_231, %dma_start3A_232] : memref<16x512xf32, #tpu.memory_space<vmem>> -> memref<1x512xf32, #tpu.memory_space<vmem>>
    %dma_start3A_234 = tpu.memref_squeeze %dma_start3A_233 : memref<1x512xf32, #tpu.memory_space<vmem>> -> memref<512xf32, #tpu.memory_space<vmem>>
    %dma_start3A_235 = arith.constant 8001280 : i32
    %dma_start3A_236 = tpu.memref_slice %arg4[%dma_start3A_235] : memref<16001024xf32, #tpu.memory_space<hbm>> -> memref<7999744xf32, #tpu.memory_space<hbm>>
    %dma_start3A_237 = arith.constant 0 : i32
    %dma_start3A_238 = tpu.memref_slice %dma_start3A_236[%dma_start3A_237] : memref<7999744xf32, #tpu.memory_space<hbm>> -> memref<7999744xf32, #tpu.memory_space<hbm>>
    tpu.enqueue_indirect_dma source(%dma_start3A_238 : memref<7999744xf32, #tpu.memory_space<hbm>>) target(%dma_start3A_234 : memref<512xf32, #tpu.memory_space<vmem>>) offsets(%arg7 : memref<512xi32, #tpu.memory_space<vmem>>) semaphore(%arg12 : memref<!tpu.dma_semaphore, #tpu.memory_space<semaphore_mem>>)
    %dma_start3A_239 = arith.constant 14 : i32
    %dma_start3A_240 = arith.constant 0 : i32
    %dma_start3A_241 = tpu.memref_slice %arg10[%dma_start3A_239, %dma_start3A_240] : memref<16x512xf32, #tpu.memory_space<vmem>> -> memref<1x512xf32, #tpu.memory_space<vmem>>
    %dma_start3A_242 = tpu.memref_squeeze %dma_start3A_241 : memref<1x512xf32, #tpu.memory_space<vmem>> -> memref<512xf32, #tpu.memory_space<vmem>>
    %dma_start3A_243 = arith.constant 8001280 : i32
    %dma_start3A_244 = tpu.memref_slice %arg5[%dma_start3A_243] : memref<16001024xf32, #tpu.memory_space<hbm>> -> memref<7999744xf32, #tpu.memory_space<hbm>>
    %dma_start3A_245 = arith.constant 0 : i32
    %dma_start3A_246 = tpu.memref_slice %dma_start3A_244[%dma_start3A_245] : memref<7999744xf32, #tpu.memory_space<hbm>> -> memref<7999744xf32, #tpu.memory_space<hbm>>
    tpu.enqueue_indirect_dma source(%dma_start3A_246 : memref<7999744xf32, #tpu.memory_space<hbm>>) target(%dma_start3A_242 : memref<512xf32, #tpu.memory_space<vmem>>) offsets(%arg8 : memref<512xi32, #tpu.memory_space<vmem>>) semaphore(%arg13 : memref<!tpu.dma_semaphore, #tpu.memory_space<semaphore_mem>>)
    %dma_start3A_247 = arith.constant 15 : i32
    %dma_start3A_248 = arith.constant 0 : i32
    %dma_start3A_249 = tpu.memref_slice %arg9[%dma_start3A_247, %dma_start3A_248] : memref<16x512xf32, #tpu.memory_space<vmem>> -> memref<1x512xf32, #tpu.memory_space<vmem>>
    %dma_start3A_250 = tpu.memref_squeeze %dma_start3A_249 : memref<1x512xf32, #tpu.memory_space<vmem>> -> memref<512xf32, #tpu.memory_space<vmem>>
    %dma_start3A_251 = arith.constant 8001408 : i32
    %dma_start3A_252 = tpu.memref_slice %arg4[%dma_start3A_251] : memref<16001024xf32, #tpu.memory_space<hbm>> -> memref<7999616xf32, #tpu.memory_space<hbm>>
    %dma_start3A_253 = arith.constant 0 : i32
    %dma_start3A_254 = tpu.memref_slice %dma_start3A_252[%dma_start3A_253] : memref<7999616xf32, #tpu.memory_space<hbm>> -> memref<7999616xf32, #tpu.memory_space<hbm>>
    tpu.enqueue_indirect_dma source(%dma_start3A_254 : memref<7999616xf32, #tpu.memory_space<hbm>>) target(%dma_start3A_250 : memref<512xf32, #tpu.memory_space<vmem>>) offsets(%arg7 : memref<512xi32, #tpu.memory_space<vmem>>) semaphore(%arg12 : memref<!tpu.dma_semaphore, #tpu.memory_space<semaphore_mem>>)
    %dma_start3A_255 = arith.constant 15 : i32
    %dma_start3A_256 = arith.constant 0 : i32
    %dma_start3A_257 = tpu.memref_slice %arg10[%dma_start3A_255, %dma_start3A_256] : memref<16x512xf32, #tpu.memory_space<vmem>> -> memref<1x512xf32, #tpu.memory_space<vmem>>
    %dma_start3A_258 = tpu.memref_squeeze %dma_start3A_257 : memref<1x512xf32, #tpu.memory_space<vmem>> -> memref<512xf32, #tpu.memory_space<vmem>>
    %dma_start3A_259 = arith.constant 8001408 : i32
    %dma_start3A_260 = tpu.memref_slice %arg5[%dma_start3A_259] : memref<16001024xf32, #tpu.memory_space<hbm>> -> memref<7999616xf32, #tpu.memory_space<hbm>>
    %dma_start3A_261 = arith.constant 0 : i32
    %dma_start3A_262 = tpu.memref_slice %dma_start3A_260[%dma_start3A_261] : memref<7999616xf32, #tpu.memory_space<hbm>> -> memref<7999616xf32, #tpu.memory_space<hbm>>
    tpu.enqueue_indirect_dma source(%dma_start3A_262 : memref<7999616xf32, #tpu.memory_space<hbm>>) target(%dma_start3A_258 : memref<512xf32, #tpu.memory_space<vmem>>) offsets(%arg8 : memref<512xi32, #tpu.memory_space<vmem>>) semaphore(%arg13 : memref<!tpu.dma_semaphore, #tpu.memory_space<semaphore_mem>>)
    %dma_wait3A = arith.constant 0 : i32
    %dma_wait3A_263 = arith.constant 0 : i32
    %dma_wait3A_264 = tpu.memref_slice %arg9[%dma_wait3A, %dma_wait3A_263] : memref<16x512xf32, #tpu.memory_space<vmem>> -> memref<1x512xf32, #tpu.memory_space<vmem>>
    %dma_wait3A_265 = tpu.memref_squeeze %dma_wait3A_264 : memref<1x512xf32, #tpu.memory_space<vmem>> -> memref<512xf32, #tpu.memory_space<vmem>>
    %dma_wait3A_266 = arith.constant 0 : i32
    %dma_wait3A_267 = tpu.memref_slice %arg4[%dma_wait3A_266] : memref<16001024xf32, #tpu.memory_space<hbm>> -> memref<16001024xf32, #tpu.memory_space<hbm>>
    %dma_wait3A_268 = arith.constant 0 : i32
    %dma_wait3A_269 = tpu.memref_slice %dma_wait3A_267[%dma_wait3A_268] : memref<16001024xf32, #tpu.memory_space<hbm>> -> memref<16001024xf32, #tpu.memory_space<hbm>>
    tpu.wait_indirect_dma semaphore(%arg12 : memref<!tpu.dma_semaphore, #tpu.memory_space<semaphore_mem>>) src(%dma_wait3A_269 : memref<16001024xf32, #tpu.memory_space<hbm>>) dst(%dma_wait3A_265 : memref<512xf32, #tpu.memory_space<vmem>>)
    %dma_wait3A_270 = arith.constant 0 : i32
    %dma_wait3A_271 = arith.constant 0 : i32
    %dma_wait3A_272 = tpu.memref_slice %arg10[%dma_wait3A_270, %dma_wait3A_271] : memref<16x512xf32, #tpu.memory_space<vmem>> -> memref<1x512xf32, #tpu.memory_space<vmem>>
    %dma_wait3A_273 = tpu.memref_squeeze %dma_wait3A_272 : memref<1x512xf32, #tpu.memory_space<vmem>> -> memref<512xf32, #tpu.memory_space<vmem>>
    %dma_wait3A_274 = arith.constant 0 : i32
    %dma_wait3A_275 = tpu.memref_slice %arg5[%dma_wait3A_274] : memref<16001024xf32, #tpu.memory_space<hbm>> -> memref<16001024xf32, #tpu.memory_space<hbm>>
    %dma_wait3A_276 = arith.constant 0 : i32
    %dma_wait3A_277 = tpu.memref_slice %dma_wait3A_275[%dma_wait3A_276] : memref<16001024xf32, #tpu.memory_space<hbm>> -> memref<16001024xf32, #tpu.memory_space<hbm>>
    tpu.wait_indirect_dma semaphore(%arg13 : memref<!tpu.dma_semaphore, #tpu.memory_space<semaphore_mem>>) src(%dma_wait3A_277 : memref<16001024xf32, #tpu.memory_space<hbm>>) dst(%dma_wait3A_273 : memref<512xf32, #tpu.memory_space<vmem>>)
    %dma_wait3A_278 = arith.constant 1 : i32
    %dma_wait3A_279 = arith.constant 0 : i32
    %dma_wait3A_280 = tpu.memref_slice %arg9[%dma_wait3A_278, %dma_wait3A_279] : memref<16x512xf32, #tpu.memory_space<vmem>> -> memref<1x512xf32, #tpu.memory_space<vmem>>
    %dma_wait3A_281 = tpu.memref_squeeze %dma_wait3A_280 : memref<1x512xf32, #tpu.memory_space<vmem>> -> memref<512xf32, #tpu.memory_space<vmem>>
    %dma_wait3A_282 = arith.constant 128 : i32
    %dma_wait3A_283 = tpu.memref_slice %arg4[%dma_wait3A_282] : memref<16001024xf32, #tpu.memory_space<hbm>> -> memref<16000896xf32, #tpu.memory_space<hbm>>
    %dma_wait3A_284 = arith.constant 0 : i32
    %dma_wait3A_285 = tpu.memref_slice %dma_wait3A_283[%dma_wait3A_284] : memref<16000896xf32, #tpu.memory_space<hbm>> -> memref<16000896xf32, #tpu.memory_space<hbm>>
    tpu.wait_indirect_dma semaphore(%arg12 : memref<!tpu.dma_semaphore, #tpu.memory_space<semaphore_mem>>) src(%dma_wait3A_285 : memref<16000896xf32, #tpu.memory_space<hbm>>) dst(%dma_wait3A_281 : memref<512xf32, #tpu.memory_space<vmem>>)
    %dma_wait3A_286 = arith.constant 1 : i32
    %dma_wait3A_287 = arith.constant 0 : i32
    %dma_wait3A_288 = tpu.memref_slice %arg10[%dma_wait3A_286, %dma_wait3A_287] : memref<16x512xf32, #tpu.memory_space<vmem>> -> memref<1x512xf32, #tpu.memory_space<vmem>>
    %dma_wait3A_289 = tpu.memref_squeeze %dma_wait3A_288 : memref<1x512xf32, #tpu.memory_space<vmem>> -> memref<512xf32, #tpu.memory_space<vmem>>
    %dma_wait3A_290 = arith.constant 128 : i32
    %dma_wait3A_291 = tpu.memref_slice %arg5[%dma_wait3A_290] : memref<16001024xf32, #tpu.memory_space<hbm>> -> memref<16000896xf32, #tpu.memory_space<hbm>>
    %dma_wait3A_292 = arith.constant 0 : i32
    %dma_wait3A_293 = tpu.memref_slice %dma_wait3A_291[%dma_wait3A_292] : memref<16000896xf32, #tpu.memory_space<hbm>> -> memref<16000896xf32, #tpu.memory_space<hbm>>
    tpu.wait_indirect_dma semaphore(%arg13 : memref<!tpu.dma_semaphore, #tpu.memory_space<semaphore_mem>>) src(%dma_wait3A_293 : memref<16000896xf32, #tpu.memory_space<hbm>>) dst(%dma_wait3A_289 : memref<512xf32, #tpu.memory_space<vmem>>)
    %dma_wait3A_294 = arith.constant 2 : i32
    %dma_wait3A_295 = arith.constant 0 : i32
    %dma_wait3A_296 = tpu.memref_slice %arg9[%dma_wait3A_294, %dma_wait3A_295] : memref<16x512xf32, #tpu.memory_space<vmem>> -> memref<1x512xf32, #tpu.memory_space<vmem>>
    %dma_wait3A_297 = tpu.memref_squeeze %dma_wait3A_296 : memref<1x512xf32, #tpu.memory_space<vmem>> -> memref<512xf32, #tpu.memory_space<vmem>>
    %dma_wait3A_298 = arith.constant 256 : i32
    %dma_wait3A_299 = tpu.memref_slice %arg4[%dma_wait3A_298] : memref<16001024xf32, #tpu.memory_space<hbm>> -> memref<16000768xf32, #tpu.memory_space<hbm>>
    %dma_wait3A_300 = arith.constant 0 : i32
    %dma_wait3A_301 = tpu.memref_slice %dma_wait3A_299[%dma_wait3A_300] : memref<16000768xf32, #tpu.memory_space<hbm>> -> memref<16000768xf32, #tpu.memory_space<hbm>>
    tpu.wait_indirect_dma semaphore(%arg12 : memref<!tpu.dma_semaphore, #tpu.memory_space<semaphore_mem>>) src(%dma_wait3A_301 : memref<16000768xf32, #tpu.memory_space<hbm>>) dst(%dma_wait3A_297 : memref<512xf32, #tpu.memory_space<vmem>>)
    %dma_wait3A_302 = arith.constant 2 : i32
    %dma_wait3A_303 = arith.constant 0 : i32
    %dma_wait3A_304 = tpu.memref_slice %arg10[%dma_wait3A_302, %dma_wait3A_303] : memref<16x512xf32, #tpu.memory_space<vmem>> -> memref<1x512xf32, #tpu.memory_space<vmem>>
    %dma_wait3A_305 = tpu.memref_squeeze %dma_wait3A_304 : memref<1x512xf32, #tpu.memory_space<vmem>> -> memref<512xf32, #tpu.memory_space<vmem>>
    %dma_wait3A_306 = arith.constant 256 : i32
    %dma_wait3A_307 = tpu.memref_slice %arg5[%dma_wait3A_306] : memref<16001024xf32, #tpu.memory_space<hbm>> -> memref<16000768xf32, #tpu.memory_space<hbm>>
    %dma_wait3A_308 = arith.constant 0 : i32
    %dma_wait3A_309 = tpu.memref_slice %dma_wait3A_307[%dma_wait3A_308] : memref<16000768xf32, #tpu.memory_space<hbm>> -> memref<16000768xf32, #tpu.memory_space<hbm>>
    tpu.wait_indirect_dma semaphore(%arg13 : memref<!tpu.dma_semaphore, #tpu.memory_space<semaphore_mem>>) src(%dma_wait3A_309 : memref<16000768xf32, #tpu.memory_space<hbm>>) dst(%dma_wait3A_305 : memref<512xf32, #tpu.memory_space<vmem>>)
    %dma_wait3A_310 = arith.constant 3 : i32
    %dma_wait3A_311 = arith.constant 0 : i32
    %dma_wait3A_312 = tpu.memref_slice %arg9[%dma_wait3A_310, %dma_wait3A_311] : memref<16x512xf32, #tpu.memory_space<vmem>> -> memref<1x512xf32, #tpu.memory_space<vmem>>
    %dma_wait3A_313 = tpu.memref_squeeze %dma_wait3A_312 : memref<1x512xf32, #tpu.memory_space<vmem>> -> memref<512xf32, #tpu.memory_space<vmem>>
    %dma_wait3A_314 = arith.constant 384 : i32
    %dma_wait3A_315 = tpu.memref_slice %arg4[%dma_wait3A_314] : memref<16001024xf32, #tpu.memory_space<hbm>> -> memref<16000640xf32, #tpu.memory_space<hbm>>
    %dma_wait3A_316 = arith.constant 0 : i32
    %dma_wait3A_317 = tpu.memref_slice %dma_wait3A_315[%dma_wait3A_316] : memref<16000640xf32, #tpu.memory_space<hbm>> -> memref<16000640xf32, #tpu.memory_space<hbm>>
    tpu.wait_indirect_dma semaphore(%arg12 : memref<!tpu.dma_semaphore, #tpu.memory_space<semaphore_mem>>) src(%dma_wait3A_317 : memref<16000640xf32, #tpu.memory_space<hbm>>) dst(%dma_wait3A_313 : memref<512xf32, #tpu.memory_space<vmem>>)
    %dma_wait3A_318 = arith.constant 3 : i32
    %dma_wait3A_319 = arith.constant 0 : i32
    %dma_wait3A_320 = tpu.memref_slice %arg10[%dma_wait3A_318, %dma_wait3A_319] : memref<16x512xf32, #tpu.memory_space<vmem>> -> memref<1x512xf32, #tpu.memory_space<vmem>>
    %dma_wait3A_321 = tpu.memref_squeeze %dma_wait3A_320 : memref<1x512xf32, #tpu.memory_space<vmem>> -> memref<512xf32, #tpu.memory_space<vmem>>
    %dma_wait3A_322 = arith.constant 384 : i32
    %dma_wait3A_323 = tpu.memref_slice %arg5[%dma_wait3A_322] : memref<16001024xf32, #tpu.memory_space<hbm>> -> memref<16000640xf32, #tpu.memory_space<hbm>>
    %dma_wait3A_324 = arith.constant 0 : i32
    %dma_wait3A_325 = tpu.memref_slice %dma_wait3A_323[%dma_wait3A_324] : memref<16000640xf32, #tpu.memory_space<hbm>> -> memref<16000640xf32, #tpu.memory_space<hbm>>
    tpu.wait_indirect_dma semaphore(%arg13 : memref<!tpu.dma_semaphore, #tpu.memory_space<semaphore_mem>>) src(%dma_wait3A_325 : memref<16000640xf32, #tpu.memory_space<hbm>>) dst(%dma_wait3A_321 : memref<512xf32, #tpu.memory_space<vmem>>)
    %dma_wait3A_326 = arith.constant 4 : i32
    %dma_wait3A_327 = arith.constant 0 : i32
    %dma_wait3A_328 = tpu.memref_slice %arg9[%dma_wait3A_326, %dma_wait3A_327] : memref<16x512xf32, #tpu.memory_space<vmem>> -> memref<1x512xf32, #tpu.memory_space<vmem>>
    %dma_wait3A_329 = tpu.memref_squeeze %dma_wait3A_328 : memref<1x512xf32, #tpu.memory_space<vmem>> -> memref<512xf32, #tpu.memory_space<vmem>>
    %dma_wait3A_330 = arith.constant 512 : i32
    %dma_wait3A_331 = tpu.memref_slice %arg4[%dma_wait3A_330] : memref<16001024xf32, #tpu.memory_space<hbm>> -> memref<16000512xf32, #tpu.memory_space<hbm>>
    %dma_wait3A_332 = arith.constant 0 : i32
    %dma_wait3A_333 = tpu.memref_slice %dma_wait3A_331[%dma_wait3A_332] : memref<16000512xf32, #tpu.memory_space<hbm>> -> memref<16000512xf32, #tpu.memory_space<hbm>>
    tpu.wait_indirect_dma semaphore(%arg12 : memref<!tpu.dma_semaphore, #tpu.memory_space<semaphore_mem>>) src(%dma_wait3A_333 : memref<16000512xf32, #tpu.memory_space<hbm>>) dst(%dma_wait3A_329 : memref<512xf32, #tpu.memory_space<vmem>>)
    %dma_wait3A_334 = arith.constant 4 : i32
    %dma_wait3A_335 = arith.constant 0 : i32
    %dma_wait3A_336 = tpu.memref_slice %arg10[%dma_wait3A_334, %dma_wait3A_335] : memref<16x512xf32, #tpu.memory_space<vmem>> -> memref<1x512xf32, #tpu.memory_space<vmem>>
    %dma_wait3A_337 = tpu.memref_squeeze %dma_wait3A_336 : memref<1x512xf32, #tpu.memory_space<vmem>> -> memref<512xf32, #tpu.memory_space<vmem>>
    %dma_wait3A_338 = arith.constant 512 : i32
    %dma_wait3A_339 = tpu.memref_slice %arg5[%dma_wait3A_338] : memref<16001024xf32, #tpu.memory_space<hbm>> -> memref<16000512xf32, #tpu.memory_space<hbm>>
    %dma_wait3A_340 = arith.constant 0 : i32
    %dma_wait3A_341 = tpu.memref_slice %dma_wait3A_339[%dma_wait3A_340] : memref<16000512xf32, #tpu.memory_space<hbm>> -> memref<16000512xf32, #tpu.memory_space<hbm>>
    tpu.wait_indirect_dma semaphore(%arg13 : memref<!tpu.dma_semaphore, #tpu.memory_space<semaphore_mem>>) src(%dma_wait3A_341 : memref<16000512xf32, #tpu.memory_space<hbm>>) dst(%dma_wait3A_337 : memref<512xf32, #tpu.memory_space<vmem>>)
    %dma_wait3A_342 = arith.constant 5 : i32
    %dma_wait3A_343 = arith.constant 0 : i32
    %dma_wait3A_344 = tpu.memref_slice %arg9[%dma_wait3A_342, %dma_wait3A_343] : memref<16x512xf32, #tpu.memory_space<vmem>> -> memref<1x512xf32, #tpu.memory_space<vmem>>
    %dma_wait3A_345 = tpu.memref_squeeze %dma_wait3A_344 : memref<1x512xf32, #tpu.memory_space<vmem>> -> memref<512xf32, #tpu.memory_space<vmem>>
    %dma_wait3A_346 = arith.constant 640 : i32
    %dma_wait3A_347 = tpu.memref_slice %arg4[%dma_wait3A_346] : memref<16001024xf32, #tpu.memory_space<hbm>> -> memref<16000384xf32, #tpu.memory_space<hbm>>
    %dma_wait3A_348 = arith.constant 0 : i32
    %dma_wait3A_349 = tpu.memref_slice %dma_wait3A_347[%dma_wait3A_348] : memref<16000384xf32, #tpu.memory_space<hbm>> -> memref<16000384xf32, #tpu.memory_space<hbm>>
    tpu.wait_indirect_dma semaphore(%arg12 : memref<!tpu.dma_semaphore, #tpu.memory_space<semaphore_mem>>) src(%dma_wait3A_349 : memref<16000384xf32, #tpu.memory_space<hbm>>) dst(%dma_wait3A_345 : memref<512xf32, #tpu.memory_space<vmem>>)
    %dma_wait3A_350 = arith.constant 5 : i32
    %dma_wait3A_351 = arith.constant 0 : i32
    %dma_wait3A_352 = tpu.memref_slice %arg10[%dma_wait3A_350, %dma_wait3A_351] : memref<16x512xf32, #tpu.memory_space<vmem>> -> memref<1x512xf32, #tpu.memory_space<vmem>>
    %dma_wait3A_353 = tpu.memref_squeeze %dma_wait3A_352 : memref<1x512xf32, #tpu.memory_space<vmem>> -> memref<512xf32, #tpu.memory_space<vmem>>
    %dma_wait3A_354 = arith.constant 640 : i32
    %dma_wait3A_355 = tpu.memref_slice %arg5[%dma_wait3A_354] : memref<16001024xf32, #tpu.memory_space<hbm>> -> memref<16000384xf32, #tpu.memory_space<hbm>>
    %dma_wait3A_356 = arith.constant 0 : i32
    %dma_wait3A_357 = tpu.memref_slice %dma_wait3A_355[%dma_wait3A_356] : memref<16000384xf32, #tpu.memory_space<hbm>> -> memref<16000384xf32, #tpu.memory_space<hbm>>
    tpu.wait_indirect_dma semaphore(%arg13 : memref<!tpu.dma_semaphore, #tpu.memory_space<semaphore_mem>>) src(%dma_wait3A_357 : memref<16000384xf32, #tpu.memory_space<hbm>>) dst(%dma_wait3A_353 : memref<512xf32, #tpu.memory_space<vmem>>)
    %dma_wait3A_358 = arith.constant 6 : i32
    %dma_wait3A_359 = arith.constant 0 : i32
    %dma_wait3A_360 = tpu.memref_slice %arg9[%dma_wait3A_358, %dma_wait3A_359] : memref<16x512xf32, #tpu.memory_space<vmem>> -> memref<1x512xf32, #tpu.memory_space<vmem>>
    %dma_wait3A_361 = tpu.memref_squeeze %dma_wait3A_360 : memref<1x512xf32, #tpu.memory_space<vmem>> -> memref<512xf32, #tpu.memory_space<vmem>>
    %dma_wait3A_362 = arith.constant 768 : i32
    %dma_wait3A_363 = tpu.memref_slice %arg4[%dma_wait3A_362] : memref<16001024xf32, #tpu.memory_space<hbm>> -> memref<16000256xf32, #tpu.memory_space<hbm>>
    %dma_wait3A_364 = arith.constant 0 : i32
    %dma_wait3A_365 = tpu.memref_slice %dma_wait3A_363[%dma_wait3A_364] : memref<16000256xf32, #tpu.memory_space<hbm>> -> memref<16000256xf32, #tpu.memory_space<hbm>>
    tpu.wait_indirect_dma semaphore(%arg12 : memref<!tpu.dma_semaphore, #tpu.memory_space<semaphore_mem>>) src(%dma_wait3A_365 : memref<16000256xf32, #tpu.memory_space<hbm>>) dst(%dma_wait3A_361 : memref<512xf32, #tpu.memory_space<vmem>>)
    %dma_wait3A_366 = arith.constant 6 : i32
    %dma_wait3A_367 = arith.constant 0 : i32
    %dma_wait3A_368 = tpu.memref_slice %arg10[%dma_wait3A_366, %dma_wait3A_367] : memref<16x512xf32, #tpu.memory_space<vmem>> -> memref<1x512xf32, #tpu.memory_space<vmem>>
    %dma_wait3A_369 = tpu.memref_squeeze %dma_wait3A_368 : memref<1x512xf32, #tpu.memory_space<vmem>> -> memref<512xf32, #tpu.memory_space<vmem>>
    %dma_wait3A_370 = arith.constant 768 : i32
    %dma_wait3A_371 = tpu.memref_slice %arg5[%dma_wait3A_370] : memref<16001024xf32, #tpu.memory_space<hbm>> -> memref<16000256xf32, #tpu.memory_space<hbm>>
    %dma_wait3A_372 = arith.constant 0 : i32
    %dma_wait3A_373 = tpu.memref_slice %dma_wait3A_371[%dma_wait3A_372] : memref<16000256xf32, #tpu.memory_space<hbm>> -> memref<16000256xf32, #tpu.memory_space<hbm>>
    tpu.wait_indirect_dma semaphore(%arg13 : memref<!tpu.dma_semaphore, #tpu.memory_space<semaphore_mem>>) src(%dma_wait3A_373 : memref<16000256xf32, #tpu.memory_space<hbm>>) dst(%dma_wait3A_369 : memref<512xf32, #tpu.memory_space<vmem>>)
    %dma_wait3A_374 = arith.constant 7 : i32
    %dma_wait3A_375 = arith.constant 0 : i32
    %dma_wait3A_376 = tpu.memref_slice %arg9[%dma_wait3A_374, %dma_wait3A_375] : memref<16x512xf32, #tpu.memory_space<vmem>> -> memref<1x512xf32, #tpu.memory_space<vmem>>
    %dma_wait3A_377 = tpu.memref_squeeze %dma_wait3A_376 : memref<1x512xf32, #tpu.memory_space<vmem>> -> memref<512xf32, #tpu.memory_space<vmem>>
    %dma_wait3A_378 = arith.constant 896 : i32
    %dma_wait3A_379 = tpu.memref_slice %arg4[%dma_wait3A_378] : memref<16001024xf32, #tpu.memory_space<hbm>> -> memref<16000128xf32, #tpu.memory_space<hbm>>
    %dma_wait3A_380 = arith.constant 0 : i32
    %dma_wait3A_381 = tpu.memref_slice %dma_wait3A_379[%dma_wait3A_380] : memref<16000128xf32, #tpu.memory_space<hbm>> -> memref<16000128xf32, #tpu.memory_space<hbm>>
    tpu.wait_indirect_dma semaphore(%arg12 : memref<!tpu.dma_semaphore, #tpu.memory_space<semaphore_mem>>) src(%dma_wait3A_381 : memref<16000128xf32, #tpu.memory_space<hbm>>) dst(%dma_wait3A_377 : memref<512xf32, #tpu.memory_space<vmem>>)
    %dma_wait3A_382 = arith.constant 7 : i32
    %dma_wait3A_383 = arith.constant 0 : i32
    %dma_wait3A_384 = tpu.memref_slice %arg10[%dma_wait3A_382, %dma_wait3A_383] : memref<16x512xf32, #tpu.memory_space<vmem>> -> memref<1x512xf32, #tpu.memory_space<vmem>>
    %dma_wait3A_385 = tpu.memref_squeeze %dma_wait3A_384 : memref<1x512xf32, #tpu.memory_space<vmem>> -> memref<512xf32, #tpu.memory_space<vmem>>
    %dma_wait3A_386 = arith.constant 896 : i32
    %dma_wait3A_387 = tpu.memref_slice %arg5[%dma_wait3A_386] : memref<16001024xf32, #tpu.memory_space<hbm>> -> memref<16000128xf32, #tpu.memory_space<hbm>>
    %dma_wait3A_388 = arith.constant 0 : i32
    %dma_wait3A_389 = tpu.memref_slice %dma_wait3A_387[%dma_wait3A_388] : memref<16000128xf32, #tpu.memory_space<hbm>> -> memref<16000128xf32, #tpu.memory_space<hbm>>
    tpu.wait_indirect_dma semaphore(%arg13 : memref<!tpu.dma_semaphore, #tpu.memory_space<semaphore_mem>>) src(%dma_wait3A_389 : memref<16000128xf32, #tpu.memory_space<hbm>>) dst(%dma_wait3A_385 : memref<512xf32, #tpu.memory_space<vmem>>)
    %dma_wait3A_390 = arith.constant 8 : i32
    %dma_wait3A_391 = arith.constant 0 : i32
    %dma_wait3A_392 = tpu.memref_slice %arg9[%dma_wait3A_390, %dma_wait3A_391] : memref<16x512xf32, #tpu.memory_space<vmem>> -> memref<1x512xf32, #tpu.memory_space<vmem>>
    %dma_wait3A_393 = tpu.memref_squeeze %dma_wait3A_392 : memref<1x512xf32, #tpu.memory_space<vmem>> -> memref<512xf32, #tpu.memory_space<vmem>>
    %dma_wait3A_394 = arith.constant 8000512 : i32
    %dma_wait3A_395 = tpu.memref_slice %arg4[%dma_wait3A_394] : memref<16001024xf32, #tpu.memory_space<hbm>> -> memref<8000512xf32, #tpu.memory_space<hbm>>
    %dma_wait3A_396 = arith.constant 0 : i32
    %dma_wait3A_397 = tpu.memref_slice %dma_wait3A_395[%dma_wait3A_396] : memref<8000512xf32, #tpu.memory_space<hbm>> -> memref<8000512xf32, #tpu.memory_space<hbm>>
    tpu.wait_indirect_dma semaphore(%arg12 : memref<!tpu.dma_semaphore, #tpu.memory_space<semaphore_mem>>) src(%dma_wait3A_397 : memref<8000512xf32, #tpu.memory_space<hbm>>) dst(%dma_wait3A_393 : memref<512xf32, #tpu.memory_space<vmem>>)
    %dma_wait3A_398 = arith.constant 8 : i32
    %dma_wait3A_399 = arith.constant 0 : i32
    %dma_wait3A_400 = tpu.memref_slice %arg10[%dma_wait3A_398, %dma_wait3A_399] : memref<16x512xf32, #tpu.memory_space<vmem>> -> memref<1x512xf32, #tpu.memory_space<vmem>>
    %dma_wait3A_401 = tpu.memref_squeeze %dma_wait3A_400 : memref<1x512xf32, #tpu.memory_space<vmem>> -> memref<512xf32, #tpu.memory_space<vmem>>
    %dma_wait3A_402 = arith.constant 8000512 : i32
    %dma_wait3A_403 = tpu.memref_slice %arg5[%dma_wait3A_402] : memref<16001024xf32, #tpu.memory_space<hbm>> -> memref<8000512xf32, #tpu.memory_space<hbm>>
    %dma_wait3A_404 = arith.constant 0 : i32
    %dma_wait3A_405 = tpu.memref_slice %dma_wait3A_403[%dma_wait3A_404] : memref<8000512xf32, #tpu.memory_space<hbm>> -> memref<8000512xf32, #tpu.memory_space<hbm>>
    tpu.wait_indirect_dma semaphore(%arg13 : memref<!tpu.dma_semaphore, #tpu.memory_space<semaphore_mem>>) src(%dma_wait3A_405 : memref<8000512xf32, #tpu.memory_space<hbm>>) dst(%dma_wait3A_401 : memref<512xf32, #tpu.memory_space<vmem>>)
    %dma_wait3A_406 = arith.constant 9 : i32
    %dma_wait3A_407 = arith.constant 0 : i32
    %dma_wait3A_408 = tpu.memref_slice %arg9[%dma_wait3A_406, %dma_wait3A_407] : memref<16x512xf32, #tpu.memory_space<vmem>> -> memref<1x512xf32, #tpu.memory_space<vmem>>
    %dma_wait3A_409 = tpu.memref_squeeze %dma_wait3A_408 : memref<1x512xf32, #tpu.memory_space<vmem>> -> memref<512xf32, #tpu.memory_space<vmem>>
    %dma_wait3A_410 = arith.constant 8000640 : i32
    %dma_wait3A_411 = tpu.memref_slice %arg4[%dma_wait3A_410] : memref<16001024xf32, #tpu.memory_space<hbm>> -> memref<8000384xf32, #tpu.memory_space<hbm>>
    %dma_wait3A_412 = arith.constant 0 : i32
    %dma_wait3A_413 = tpu.memref_slice %dma_wait3A_411[%dma_wait3A_412] : memref<8000384xf32, #tpu.memory_space<hbm>> -> memref<8000384xf32, #tpu.memory_space<hbm>>
    tpu.wait_indirect_dma semaphore(%arg12 : memref<!tpu.dma_semaphore, #tpu.memory_space<semaphore_mem>>) src(%dma_wait3A_413 : memref<8000384xf32, #tpu.memory_space<hbm>>) dst(%dma_wait3A_409 : memref<512xf32, #tpu.memory_space<vmem>>)
    %dma_wait3A_414 = arith.constant 9 : i32
    %dma_wait3A_415 = arith.constant 0 : i32
    %dma_wait3A_416 = tpu.memref_slice %arg10[%dma_wait3A_414, %dma_wait3A_415] : memref<16x512xf32, #tpu.memory_space<vmem>> -> memref<1x512xf32, #tpu.memory_space<vmem>>
    %dma_wait3A_417 = tpu.memref_squeeze %dma_wait3A_416 : memref<1x512xf32, #tpu.memory_space<vmem>> -> memref<512xf32, #tpu.memory_space<vmem>>
    %dma_wait3A_418 = arith.constant 8000640 : i32
    %dma_wait3A_419 = tpu.memref_slice %arg5[%dma_wait3A_418] : memref<16001024xf32, #tpu.memory_space<hbm>> -> memref<8000384xf32, #tpu.memory_space<hbm>>
    %dma_wait3A_420 = arith.constant 0 : i32
    %dma_wait3A_421 = tpu.memref_slice %dma_wait3A_419[%dma_wait3A_420] : memref<8000384xf32, #tpu.memory_space<hbm>> -> memref<8000384xf32, #tpu.memory_space<hbm>>
    tpu.wait_indirect_dma semaphore(%arg13 : memref<!tpu.dma_semaphore, #tpu.memory_space<semaphore_mem>>) src(%dma_wait3A_421 : memref<8000384xf32, #tpu.memory_space<hbm>>) dst(%dma_wait3A_417 : memref<512xf32, #tpu.memory_space<vmem>>)
    %dma_wait3A_422 = arith.constant 10 : i32
    %dma_wait3A_423 = arith.constant 0 : i32
    %dma_wait3A_424 = tpu.memref_slice %arg9[%dma_wait3A_422, %dma_wait3A_423] : memref<16x512xf32, #tpu.memory_space<vmem>> -> memref<1x512xf32, #tpu.memory_space<vmem>>
    %dma_wait3A_425 = tpu.memref_squeeze %dma_wait3A_424 : memref<1x512xf32, #tpu.memory_space<vmem>> -> memref<512xf32, #tpu.memory_space<vmem>>
    %dma_wait3A_426 = arith.constant 8000768 : i32
    %dma_wait3A_427 = tpu.memref_slice %arg4[%dma_wait3A_426] : memref<16001024xf32, #tpu.memory_space<hbm>> -> memref<8000256xf32, #tpu.memory_space<hbm>>
    %dma_wait3A_428 = arith.constant 0 : i32
    %dma_wait3A_429 = tpu.memref_slice %dma_wait3A_427[%dma_wait3A_428] : memref<8000256xf32, #tpu.memory_space<hbm>> -> memref<8000256xf32, #tpu.memory_space<hbm>>
    tpu.wait_indirect_dma semaphore(%arg12 : memref<!tpu.dma_semaphore, #tpu.memory_space<semaphore_mem>>) src(%dma_wait3A_429 : memref<8000256xf32, #tpu.memory_space<hbm>>) dst(%dma_wait3A_425 : memref<512xf32, #tpu.memory_space<vmem>>)
    %dma_wait3A_430 = arith.constant 10 : i32
    %dma_wait3A_431 = arith.constant 0 : i32
    %dma_wait3A_432 = tpu.memref_slice %arg10[%dma_wait3A_430, %dma_wait3A_431] : memref<16x512xf32, #tpu.memory_space<vmem>> -> memref<1x512xf32, #tpu.memory_space<vmem>>
    %dma_wait3A_433 = tpu.memref_squeeze %dma_wait3A_432 : memref<1x512xf32, #tpu.memory_space<vmem>> -> memref<512xf32, #tpu.memory_space<vmem>>
    %dma_wait3A_434 = arith.constant 8000768 : i32
    %dma_wait3A_435 = tpu.memref_slice %arg5[%dma_wait3A_434] : memref<16001024xf32, #tpu.memory_space<hbm>> -> memref<8000256xf32, #tpu.memory_space<hbm>>
    %dma_wait3A_436 = arith.constant 0 : i32
    %dma_wait3A_437 = tpu.memref_slice %dma_wait3A_435[%dma_wait3A_436] : memref<8000256xf32, #tpu.memory_space<hbm>> -> memref<8000256xf32, #tpu.memory_space<hbm>>
    tpu.wait_indirect_dma semaphore(%arg13 : memref<!tpu.dma_semaphore, #tpu.memory_space<semaphore_mem>>) src(%dma_wait3A_437 : memref<8000256xf32, #tpu.memory_space<hbm>>) dst(%dma_wait3A_433 : memref<512xf32, #tpu.memory_space<vmem>>)
    %dma_wait3A_438 = arith.constant 11 : i32
    %dma_wait3A_439 = arith.constant 0 : i32
    %dma_wait3A_440 = tpu.memref_slice %arg9[%dma_wait3A_438, %dma_wait3A_439] : memref<16x512xf32, #tpu.memory_space<vmem>> -> memref<1x512xf32, #tpu.memory_space<vmem>>
    %dma_wait3A_441 = tpu.memref_squeeze %dma_wait3A_440 : memref<1x512xf32, #tpu.memory_space<vmem>> -> memref<512xf32, #tpu.memory_space<vmem>>
    %dma_wait3A_442 = arith.constant 8000896 : i32
    %dma_wait3A_443 = tpu.memref_slice %arg4[%dma_wait3A_442] : memref<16001024xf32, #tpu.memory_space<hbm>> -> memref<8000128xf32, #tpu.memory_space<hbm>>
    %dma_wait3A_444 = arith.constant 0 : i32
    %dma_wait3A_445 = tpu.memref_slice %dma_wait3A_443[%dma_wait3A_444] : memref<8000128xf32, #tpu.memory_space<hbm>> -> memref<8000128xf32, #tpu.memory_space<hbm>>
    tpu.wait_indirect_dma semaphore(%arg12 : memref<!tpu.dma_semaphore, #tpu.memory_space<semaphore_mem>>) src(%dma_wait3A_445 : memref<8000128xf32, #tpu.memory_space<hbm>>) dst(%dma_wait3A_441 : memref<512xf32, #tpu.memory_space<vmem>>)
    %dma_wait3A_446 = arith.constant 11 : i32
    %dma_wait3A_447 = arith.constant 0 : i32
    %dma_wait3A_448 = tpu.memref_slice %arg10[%dma_wait3A_446, %dma_wait3A_447] : memref<16x512xf32, #tpu.memory_space<vmem>> -> memref<1x512xf32, #tpu.memory_space<vmem>>
    %dma_wait3A_449 = tpu.memref_squeeze %dma_wait3A_448 : memref<1x512xf32, #tpu.memory_space<vmem>> -> memref<512xf32, #tpu.memory_space<vmem>>
    %dma_wait3A_450 = arith.constant 8000896 : i32
    %dma_wait3A_451 = tpu.memref_slice %arg5[%dma_wait3A_450] : memref<16001024xf32, #tpu.memory_space<hbm>> -> memref<8000128xf32, #tpu.memory_space<hbm>>
    %dma_wait3A_452 = arith.constant 0 : i32
    %dma_wait3A_453 = tpu.memref_slice %dma_wait3A_451[%dma_wait3A_452] : memref<8000128xf32, #tpu.memory_space<hbm>> -> memref<8000128xf32, #tpu.memory_space<hbm>>
    tpu.wait_indirect_dma semaphore(%arg13 : memref<!tpu.dma_semaphore, #tpu.memory_space<semaphore_mem>>) src(%dma_wait3A_453 : memref<8000128xf32, #tpu.memory_space<hbm>>) dst(%dma_wait3A_449 : memref<512xf32, #tpu.memory_space<vmem>>)
    %dma_wait3A_454 = arith.constant 12 : i32
    %dma_wait3A_455 = arith.constant 0 : i32
    %dma_wait3A_456 = tpu.memref_slice %arg9[%dma_wait3A_454, %dma_wait3A_455] : memref<16x512xf32, #tpu.memory_space<vmem>> -> memref<1x512xf32, #tpu.memory_space<vmem>>
    %dma_wait3A_457 = tpu.memref_squeeze %dma_wait3A_456 : memref<1x512xf32, #tpu.memory_space<vmem>> -> memref<512xf32, #tpu.memory_space<vmem>>
    %dma_wait3A_458 = arith.constant 8001024 : i32
    %dma_wait3A_459 = tpu.memref_slice %arg4[%dma_wait3A_458] : memref<16001024xf32, #tpu.memory_space<hbm>> -> memref<8000000xf32, #tpu.memory_space<hbm>>
    %dma_wait3A_460 = arith.constant 0 : i32
    %dma_wait3A_461 = tpu.memref_slice %dma_wait3A_459[%dma_wait3A_460] : memref<8000000xf32, #tpu.memory_space<hbm>> -> memref<8000000xf32, #tpu.memory_space<hbm>>
    tpu.wait_indirect_dma semaphore(%arg12 : memref<!tpu.dma_semaphore, #tpu.memory_space<semaphore_mem>>) src(%dma_wait3A_461 : memref<8000000xf32, #tpu.memory_space<hbm>>) dst(%dma_wait3A_457 : memref<512xf32, #tpu.memory_space<vmem>>)
    %dma_wait3A_462 = arith.constant 12 : i32
    %dma_wait3A_463 = arith.constant 0 : i32
    %dma_wait3A_464 = tpu.memref_slice %arg10[%dma_wait3A_462, %dma_wait3A_463] : memref<16x512xf32, #tpu.memory_space<vmem>> -> memref<1x512xf32, #tpu.memory_space<vmem>>
    %dma_wait3A_465 = tpu.memref_squeeze %dma_wait3A_464 : memref<1x512xf32, #tpu.memory_space<vmem>> -> memref<512xf32, #tpu.memory_space<vmem>>
    %dma_wait3A_466 = arith.constant 8001024 : i32
    %dma_wait3A_467 = tpu.memref_slice %arg5[%dma_wait3A_466] : memref<16001024xf32, #tpu.memory_space<hbm>> -> memref<8000000xf32, #tpu.memory_space<hbm>>
    %dma_wait3A_468 = arith.constant 0 : i32
    %dma_wait3A_469 = tpu.memref_slice %dma_wait3A_467[%dma_wait3A_468] : memref<8000000xf32, #tpu.memory_space<hbm>> -> memref<8000000xf32, #tpu.memory_space<hbm>>
    tpu.wait_indirect_dma semaphore(%arg13 : memref<!tpu.dma_semaphore, #tpu.memory_space<semaphore_mem>>) src(%dma_wait3A_469 : memref<8000000xf32, #tpu.memory_space<hbm>>) dst(%dma_wait3A_465 : memref<512xf32, #tpu.memory_space<vmem>>)
    %dma_wait3A_470 = arith.constant 13 : i32
    %dma_wait3A_471 = arith.constant 0 : i32
    %dma_wait3A_472 = tpu.memref_slice %arg9[%dma_wait3A_470, %dma_wait3A_471] : memref<16x512xf32, #tpu.memory_space<vmem>> -> memref<1x512xf32, #tpu.memory_space<vmem>>
    %dma_wait3A_473 = tpu.memref_squeeze %dma_wait3A_472 : memref<1x512xf32, #tpu.memory_space<vmem>> -> memref<512xf32, #tpu.memory_space<vmem>>
    %dma_wait3A_474 = arith.constant 8001152 : i32
    %dma_wait3A_475 = tpu.memref_slice %arg4[%dma_wait3A_474] : memref<16001024xf32, #tpu.memory_space<hbm>> -> memref<7999872xf32, #tpu.memory_space<hbm>>
    %dma_wait3A_476 = arith.constant 0 : i32
    %dma_wait3A_477 = tpu.memref_slice %dma_wait3A_475[%dma_wait3A_476] : memref<7999872xf32, #tpu.memory_space<hbm>> -> memref<7999872xf32, #tpu.memory_space<hbm>>
    tpu.wait_indirect_dma semaphore(%arg12 : memref<!tpu.dma_semaphore, #tpu.memory_space<semaphore_mem>>) src(%dma_wait3A_477 : memref<7999872xf32, #tpu.memory_space<hbm>>) dst(%dma_wait3A_473 : memref<512xf32, #tpu.memory_space<vmem>>)
    %dma_wait3A_478 = arith.constant 13 : i32
    %dma_wait3A_479 = arith.constant 0 : i32
    %dma_wait3A_480 = tpu.memref_slice %arg10[%dma_wait3A_478, %dma_wait3A_479] : memref<16x512xf32, #tpu.memory_space<vmem>> -> memref<1x512xf32, #tpu.memory_space<vmem>>
    %dma_wait3A_481 = tpu.memref_squeeze %dma_wait3A_480 : memref<1x512xf32, #tpu.memory_space<vmem>> -> memref<512xf32, #tpu.memory_space<vmem>>
    %dma_wait3A_482 = arith.constant 8001152 : i32
    %dma_wait3A_483 = tpu.memref_slice %arg5[%dma_wait3A_482] : memref<16001024xf32, #tpu.memory_space<hbm>> -> memref<7999872xf32, #tpu.memory_space<hbm>>
    %dma_wait3A_484 = arith.constant 0 : i32
    %dma_wait3A_485 = tpu.memref_slice %dma_wait3A_483[%dma_wait3A_484] : memref<7999872xf32, #tpu.memory_space<hbm>> -> memref<7999872xf32, #tpu.memory_space<hbm>>
    tpu.wait_indirect_dma semaphore(%arg13 : memref<!tpu.dma_semaphore, #tpu.memory_space<semaphore_mem>>) src(%dma_wait3A_485 : memref<7999872xf32, #tpu.memory_space<hbm>>) dst(%dma_wait3A_481 : memref<512xf32, #tpu.memory_space<vmem>>)
    %dma_wait3A_486 = arith.constant 14 : i32
    %dma_wait3A_487 = arith.constant 0 : i32
    %dma_wait3A_488 = tpu.memref_slice %arg9[%dma_wait3A_486, %dma_wait3A_487] : memref<16x512xf32, #tpu.memory_space<vmem>> -> memref<1x512xf32, #tpu.memory_space<vmem>>
    %dma_wait3A_489 = tpu.memref_squeeze %dma_wait3A_488 : memref<1x512xf32, #tpu.memory_space<vmem>> -> memref<512xf32, #tpu.memory_space<vmem>>
    %dma_wait3A_490 = arith.constant 8001280 : i32
    %dma_wait3A_491 = tpu.memref_slice %arg4[%dma_wait3A_490] : memref<16001024xf32, #tpu.memory_space<hbm>> -> memref<7999744xf32, #tpu.memory_space<hbm>>
    %dma_wait3A_492 = arith.constant 0 : i32
    %dma_wait3A_493 = tpu.memref_slice %dma_wait3A_491[%dma_wait3A_492] : memref<7999744xf32, #tpu.memory_space<hbm>> -> memref<7999744xf32, #tpu.memory_space<hbm>>
    tpu.wait_indirect_dma semaphore(%arg12 : memref<!tpu.dma_semaphore, #tpu.memory_space<semaphore_mem>>) src(%dma_wait3A_493 : memref<7999744xf32, #tpu.memory_space<hbm>>) dst(%dma_wait3A_489 : memref<512xf32, #tpu.memory_space<vmem>>)
    %dma_wait3A_494 = arith.constant 14 : i32
    %dma_wait3A_495 = arith.constant 0 : i32
    %dma_wait3A_496 = tpu.memref_slice %arg10[%dma_wait3A_494, %dma_wait3A_495] : memref<16x512xf32, #tpu.memory_space<vmem>> -> memref<1x512xf32, #tpu.memory_space<vmem>>
    %dma_wait3A_497 = tpu.memref_squeeze %dma_wait3A_496 : memref<1x512xf32, #tpu.memory_space<vmem>> -> memref<512xf32, #tpu.memory_space<vmem>>
    %dma_wait3A_498 = arith.constant 8001280 : i32
    %dma_wait3A_499 = tpu.memref_slice %arg5[%dma_wait3A_498] : memref<16001024xf32, #tpu.memory_space<hbm>> -> memref<7999744xf32, #tpu.memory_space<hbm>>
    %dma_wait3A_500 = arith.constant 0 : i32
    %dma_wait3A_501 = tpu.memref_slice %dma_wait3A_499[%dma_wait3A_500] : memref<7999744xf32, #tpu.memory_space<hbm>> -> memref<7999744xf32, #tpu.memory_space<hbm>>
    tpu.wait_indirect_dma semaphore(%arg13 : memref<!tpu.dma_semaphore, #tpu.memory_space<semaphore_mem>>) src(%dma_wait3A_501 : memref<7999744xf32, #tpu.memory_space<hbm>>) dst(%dma_wait3A_497 : memref<512xf32, #tpu.memory_space<vmem>>)
    %dma_wait3A_502 = arith.constant 15 : i32
    %dma_wait3A_503 = arith.constant 0 : i32
    %dma_wait3A_504 = tpu.memref_slice %arg9[%dma_wait3A_502, %dma_wait3A_503] : memref<16x512xf32, #tpu.memory_space<vmem>> -> memref<1x512xf32, #tpu.memory_space<vmem>>
    %dma_wait3A_505 = tpu.memref_squeeze %dma_wait3A_504 : memref<1x512xf32, #tpu.memory_space<vmem>> -> memref<512xf32, #tpu.memory_space<vmem>>
    %dma_wait3A_506 = arith.constant 8001408 : i32
    %dma_wait3A_507 = tpu.memref_slice %arg4[%dma_wait3A_506] : memref<16001024xf32, #tpu.memory_space<hbm>> -> memref<7999616xf32, #tpu.memory_space<hbm>>
    %dma_wait3A_508 = arith.constant 0 : i32
    %dma_wait3A_509 = tpu.memref_slice %dma_wait3A_507[%dma_wait3A_508] : memref<7999616xf32, #tpu.memory_space<hbm>> -> memref<7999616xf32, #tpu.memory_space<hbm>>
    tpu.wait_indirect_dma semaphore(%arg12 : memref<!tpu.dma_semaphore, #tpu.memory_space<semaphore_mem>>) src(%dma_wait3A_509 : memref<7999616xf32, #tpu.memory_space<hbm>>) dst(%dma_wait3A_505 : memref<512xf32, #tpu.memory_space<vmem>>)
    %dma_wait3A_510 = arith.constant 15 : i32
    %dma_wait3A_511 = arith.constant 0 : i32
    %dma_wait3A_512 = tpu.memref_slice %arg10[%dma_wait3A_510, %dma_wait3A_511] : memref<16x512xf32, #tpu.memory_space<vmem>> -> memref<1x512xf32, #tpu.memory_space<vmem>>
    %dma_wait3A_513 = tpu.memref_squeeze %dma_wait3A_512 : memref<1x512xf32, #tpu.memory_space<vmem>> -> memref<512xf32, #tpu.memory_space<vmem>>
    %dma_wait3A_514 = arith.constant 8001408 : i32
    %dma_wait3A_515 = tpu.memref_slice %arg5[%dma_wait3A_514] : memref<16001024xf32, #tpu.memory_space<hbm>> -> memref<7999616xf32, #tpu.memory_space<hbm>>
    %dma_wait3A_516 = arith.constant 0 : i32
    %dma_wait3A_517 = tpu.memref_slice %dma_wait3A_515[%dma_wait3A_516] : memref<7999616xf32, #tpu.memory_space<hbm>> -> memref<7999616xf32, #tpu.memory_space<hbm>>
    tpu.wait_indirect_dma semaphore(%arg13 : memref<!tpu.dma_semaphore, #tpu.memory_space<semaphore_mem>>) src(%dma_wait3A_517 : memref<7999616xf32, #tpu.memory_space<hbm>>) dst(%dma_wait3A_513 : memref<512xf32, #tpu.memory_space<vmem>>)
    %scan3A_518 = arith.constant 0 : i32
    %scan3A_519 = arith.constant 0 : i32
    %scan3A_520 = arith.constant 32 : i32
    %scan3A_521 = arith.addi %scan3A_519, %scan3A_520 : i32
    %scan3A_522 = arith.constant 1 : i32
    scf.for %scan3A_524 = %scan3A_519 to %scan3A_521 step %scan3A_522  : i32 {
      %mul3A_525 = arith.constant 16 : i32
      %mul3A_526 = arith.muli %scan3A_524, %mul3A_525 : i32
      %get3A = arith.constant 0 : i32
      %get3A_527 = arith.index_cast %get3A : i32 to index
      %get3A_528 = arith.index_cast %mul3A_526 : i32 to index
      %get3A_529 = tpu.vector_load %arg9[%get3A_527, %get3A_528] {strides = array<i32>} : memref<16x512xf32, #tpu.memory_space<vmem>>, vector<1x16xf32>,
      %get3A_530 = vector.shape_cast %get3A_529 : vector<1x16xf32> to vector<16xf32>
      %get3A_531 = arith.constant 0 : i32
      %get3A_532 = arith.index_cast %get3A_531 : i32 to index
      %get3A_533 = arith.index_cast %mul3A_526 : i32 to index
      %get3A_534 = tpu.vector_load %arg10[%get3A_532, %get3A_533] {strides = array<i32>} : memref<16x512xf32, #tpu.memory_space<vmem>>, vector<1x16xf32>,
      %get3A_535 = vector.shape_cast %get3A_534 : vector<1x16xf32> to vector<16xf32>
      %mul3A_536 = arith.mulf %get3A_530, %get3A_535 : vector<16xf32>
      %get3A_537 = arith.constant 1 : i32
      %get3A_538 = arith.index_cast %get3A_537 : i32 to index
      %get3A_539 = arith.index_cast %mul3A_526 : i32 to index
      %get3A_540 = tpu.vector_load %arg9[%get3A_538, %get3A_539] {strides = array<i32>} : memref<16x512xf32, #tpu.memory_space<vmem>>, vector<1x16xf32>,
      %get3A_541 = vector.shape_cast %get3A_540 : vector<1x16xf32> to vector<16xf32>
      %get3A_542 = arith.constant 1 : i32
      %get3A_543 = arith.index_cast %get3A_542 : i32 to index
      %get3A_544 = arith.index_cast %mul3A_526 : i32 to index
      %get3A_545 = tpu.vector_load %arg10[%get3A_543, %get3A_544] {strides = array<i32>} : memref<16x512xf32, #tpu.memory_space<vmem>>, vector<1x16xf32>,
      %get3A_546 = vector.shape_cast %get3A_545 : vector<1x16xf32> to vector<16xf32>
      %mul3A_547 = arith.mulf %get3A_541, %get3A_546 : vector<16xf32>
      %add3A_548 = arith.addf %mul3A_536, %mul3A_547 : vector<16xf32>
      %get3A_549 = arith.constant 2 : i32
      %get3A_550 = arith.index_cast %get3A_549 : i32 to index
      %get3A_551 = arith.index_cast %mul3A_526 : i32 to index
      %get3A_552 = tpu.vector_load %arg9[%get3A_550, %get3A_551] {strides = array<i32>} : memref<16x512xf32, #tpu.memory_space<vmem>>, vector<1x16xf32>,
      %get3A_553 = vector.shape_cast %get3A_552 : vector<1x16xf32> to vector<16xf32>
      %get3A_554 = arith.constant 2 : i32
      %get3A_555 = arith.index_cast %get3A_554 : i32 to index
      %get3A_556 = arith.index_cast %mul3A_526 : i32 to index
      %get3A_557 = tpu.vector_load %arg10[%get3A_555, %get3A_556] {strides = array<i32>} : memref<16x512xf32, #tpu.memory_space<vmem>>, vector<1x16xf32>,
      %get3A_558 = vector.shape_cast %get3A_557 : vector<1x16xf32> to vector<16xf32>
      %mul3A_559 = arith.mulf %get3A_553, %get3A_558 : vector<16xf32>
      %add3A_560 = arith.addf %add3A_548, %mul3A_559 : vector<16xf32>
      %get3A_561 = arith.constant 3 : i32
      %get3A_562 = arith.index_cast %get3A_561 : i32 to index
      %get3A_563 = arith.index_cast %mul3A_526 : i32 to index
      %get3A_564 = tpu.vector_load %arg9[%get3A_562, %get3A_563] {strides = array<i32>} : memref<16x512xf32, #tpu.memory_space<vmem>>, vector<1x16xf32>,
      %get3A_565 = vector.shape_cast %get3A_564 : vector<1x16xf32> to vector<16xf32>
      %get3A_566 = arith.constant 3 : i32
      %get3A_567 = arith.index_cast %get3A_566 : i32 to index
      %get3A_568 = arith.index_cast %mul3A_526 : i32 to index
      %get3A_569 = tpu.vector_load %arg10[%get3A_567, %get3A_568] {strides = array<i32>} : memref<16x512xf32, #tpu.memory_space<vmem>>, vector<1x16xf32>,
      %get3A_570 = vector.shape_cast %get3A_569 : vector<1x16xf32> to vector<16xf32>
      %mul3A_571 = arith.mulf %get3A_565, %get3A_570 : vector<16xf32>
      %add3A_572 = arith.addf %add3A_560, %mul3A_571 : vector<16xf32>
      %get3A_573 = arith.constant 4 : i32
      %get3A_574 = arith.index_cast %get3A_573 : i32 to index
      %get3A_575 = arith.index_cast %mul3A_526 : i32 to index
      %get3A_576 = tpu.vector_load %arg9[%get3A_574, %get3A_575] {strides = array<i32>} : memref<16x512xf32, #tpu.memory_space<vmem>>, vector<1x16xf32>,
      %get3A_577 = vector.shape_cast %get3A_576 : vector<1x16xf32> to vector<16xf32>
      %get3A_578 = arith.constant 4 : i32
      %get3A_579 = arith.index_cast %get3A_578 : i32 to index
      %get3A_580 = arith.index_cast %mul3A_526 : i32 to index
      %get3A_581 = tpu.vector_load %arg10[%get3A_579, %get3A_580] {strides = array<i32>} : memref<16x512xf32, #tpu.memory_space<vmem>>, vector<1x16xf32>,
      %get3A_582 = vector.shape_cast %get3A_581 : vector<1x16xf32> to vector<16xf32>
      %mul3A_583 = arith.mulf %get3A_577, %get3A_582 : vector<16xf32>
      %add3A_584 = arith.addf %add3A_572, %mul3A_583 : vector<16xf32>
      %get3A_585 = arith.constant 5 : i32
      %get3A_586 = arith.index_cast %get3A_585 : i32 to index
      %get3A_587 = arith.index_cast %mul3A_526 : i32 to index
      %get3A_588 = tpu.vector_load %arg9[%get3A_586, %get3A_587] {strides = array<i32>} : memref<16x512xf32, #tpu.memory_space<vmem>>, vector<1x16xf32>,
      %get3A_589 = vector.shape_cast %get3A_588 : vector<1x16xf32> to vector<16xf32>
      %get3A_590 = arith.constant 5 : i32
      %get3A_591 = arith.index_cast %get3A_590 : i32 to index
      %get3A_592 = arith.index_cast %mul3A_526 : i32 to index
      %get3A_593 = tpu.vector_load %arg10[%get3A_591, %get3A_592] {strides = array<i32>} : memref<16x512xf32, #tpu.memory_space<vmem>>, vector<1x16xf32>,
      %get3A_594 = vector.shape_cast %get3A_593 : vector<1x16xf32> to vector<16xf32>
      %mul3A_595 = arith.mulf %get3A_589, %get3A_594 : vector<16xf32>
      %add3A_596 = arith.addf %add3A_584, %mul3A_595 : vector<16xf32>
      %get3A_597 = arith.constant 6 : i32
      %get3A_598 = arith.index_cast %get3A_597 : i32 to index
      %get3A_599 = arith.index_cast %mul3A_526 : i32 to index
      %get3A_600 = tpu.vector_load %arg9[%get3A_598, %get3A_599] {strides = array<i32>} : memref<16x512xf32, #tpu.memory_space<vmem>>, vector<1x16xf32>,
      %get3A_601 = vector.shape_cast %get3A_600 : vector<1x16xf32> to vector<16xf32>
      %get3A_602 = arith.constant 6 : i32
      %get3A_603 = arith.index_cast %get3A_602 : i32 to index
      %get3A_604 = arith.index_cast %mul3A_526 : i32 to index
      %get3A_605 = tpu.vector_load %arg10[%get3A_603, %get3A_604] {strides = array<i32>} : memref<16x512xf32, #tpu.memory_space<vmem>>, vector<1x16xf32>,
      %get3A_606 = vector.shape_cast %get3A_605 : vector<1x16xf32> to vector<16xf32>
      %mul3A_607 = arith.mulf %get3A_601, %get3A_606 : vector<16xf32>
      %add3A_608 = arith.addf %add3A_596, %mul3A_607 : vector<16xf32>
      %get3A_609 = arith.constant 7 : i32
      %get3A_610 = arith.index_cast %get3A_609 : i32 to index
      %get3A_611 = arith.index_cast %mul3A_526 : i32 to index
      %get3A_612 = tpu.vector_load %arg9[%get3A_610, %get3A_611] {strides = array<i32>} : memref<16x512xf32, #tpu.memory_space<vmem>>, vector<1x16xf32>,
      %get3A_613 = vector.shape_cast %get3A_612 : vector<1x16xf32> to vector<16xf32>
      %get3A_614 = arith.constant 7 : i32
      %get3A_615 = arith.index_cast %get3A_614 : i32 to index
      %get3A_616 = arith.index_cast %mul3A_526 : i32 to index
      %get3A_617 = tpu.vector_load %arg10[%get3A_615, %get3A_616] {strides = array<i32>} : memref<16x512xf32, #tpu.memory_space<vmem>>, vector<1x16xf32>,
      %get3A_618 = vector.shape_cast %get3A_617 : vector<1x16xf32> to vector<16xf32>
      %mul3A_619 = arith.mulf %get3A_613, %get3A_618 : vector<16xf32>
      %add3A_620 = arith.addf %add3A_608, %mul3A_619 : vector<16xf32>
      %get3A_621 = arith.constant 8 : i32
      %get3A_622 = arith.index_cast %get3A_621 : i32 to index
      %get3A_623 = arith.index_cast %mul3A_526 : i32 to index
      %get3A_624 = tpu.vector_load %arg9[%get3A_622, %get3A_623] {strides = array<i32>} : memref<16x512xf32, #tpu.memory_space<vmem>>, vector<1x16xf32>,
      %get3A_625 = vector.shape_cast %get3A_624 : vector<1x16xf32> to vector<16xf32>
      %get3A_626 = arith.constant 8 : i32
      %get3A_627 = arith.index_cast %get3A_626 : i32 to index
      %get3A_628 = arith.index_cast %mul3A_526 : i32 to index
      %get3A_629 = tpu.vector_load %arg10[%get3A_627, %get3A_628] {strides = array<i32>} : memref<16x512xf32, #tpu.memory_space<vmem>>, vector<1x16xf32>,
      %get3A_630 = vector.shape_cast %get3A_629 : vector<1x16xf32> to vector<16xf32>
      %mul3A_631 = arith.mulf %get3A_625, %get3A_630 : vector<16xf32>
      %add3A_632 = arith.addf %add3A_620, %mul3A_631 : vector<16xf32>
      %get3A_633 = arith.constant 9 : i32
      %get3A_634 = arith.index_cast %get3A_633 : i32 to index
      %get3A_635 = arith.index_cast %mul3A_526 : i32 to index
      %get3A_636 = tpu.vector_load %arg9[%get3A_634, %get3A_635] {strides = array<i32>} : memref<16x512xf32, #tpu.memory_space<vmem>>, vector<1x16xf32>,
      %get3A_637 = vector.shape_cast %get3A_636 : vector<1x16xf32> to vector<16xf32>
      %get3A_638 = arith.constant 9 : i32
      %get3A_639 = arith.index_cast %get3A_638 : i32 to index
      %get3A_640 = arith.index_cast %mul3A_526 : i32 to index
      %get3A_641 = tpu.vector_load %arg10[%get3A_639, %get3A_640] {strides = array<i32>} : memref<16x512xf32, #tpu.memory_space<vmem>>, vector<1x16xf32>,
      %get3A_642 = vector.shape_cast %get3A_641 : vector<1x16xf32> to vector<16xf32>
      %mul3A_643 = arith.mulf %get3A_637, %get3A_642 : vector<16xf32>
      %add3A_644 = arith.addf %add3A_632, %mul3A_643 : vector<16xf32>
      %get3A_645 = arith.constant 10 : i32
      %get3A_646 = arith.index_cast %get3A_645 : i32 to index
      %get3A_647 = arith.index_cast %mul3A_526 : i32 to index
      %get3A_648 = tpu.vector_load %arg9[%get3A_646, %get3A_647] {strides = array<i32>} : memref<16x512xf32, #tpu.memory_space<vmem>>, vector<1x16xf32>,
      %get3A_649 = vector.shape_cast %get3A_648 : vector<1x16xf32> to vector<16xf32>
      %get3A_650 = arith.constant 10 : i32
      %get3A_651 = arith.index_cast %get3A_650 : i32 to index
      %get3A_652 = arith.index_cast %mul3A_526 : i32 to index
      %get3A_653 = tpu.vector_load %arg10[%get3A_651, %get3A_652] {strides = array<i32>} : memref<16x512xf32, #tpu.memory_space<vmem>>, vector<1x16xf32>,
      %get3A_654 = vector.shape_cast %get3A_653 : vector<1x16xf32> to vector<16xf32>
      %mul3A_655 = arith.mulf %get3A_649, %get3A_654 : vector<16xf32>
      %add3A_656 = arith.addf %add3A_644, %mul3A_655 : vector<16xf32>
      %get3A_657 = arith.constant 11 : i32
      %get3A_658 = arith.index_cast %get3A_657 : i32 to index
      %get3A_659 = arith.index_cast %mul3A_526 : i32 to index
      %get3A_660 = tpu.vector_load %arg9[%get3A_658, %get3A_659] {strides = array<i32>} : memref<16x512xf32, #tpu.memory_space<vmem>>, vector<1x16xf32>,
      %get3A_661 = vector.shape_cast %get3A_660 : vector<1x16xf32> to vector<16xf32>
      %get3A_662 = arith.constant 11 : i32
      %get3A_663 = arith.index_cast %get3A_662 : i32 to index
      %get3A_664 = arith.index_cast %mul3A_526 : i32 to index
      %get3A_665 = tpu.vector_load %arg10[%get3A_663, %get3A_664] {strides = array<i32>} : memref<16x512xf32, #tpu.memory_space<vmem>>, vector<1x16xf32>,
      %get3A_666 = vector.shape_cast %get3A_665 : vector<1x16xf32> to vector<16xf32>
      %mul3A_667 = arith.mulf %get3A_661, %get3A_666 : vector<16xf32>
      %add3A_668 = arith.addf %add3A_656, %mul3A_667 : vector<16xf32>
      %get3A_669 = arith.constant 12 : i32
      %get3A_670 = arith.index_cast %get3A_669 : i32 to index
      %get3A_671 = arith.index_cast %mul3A_526 : i32 to index
      %get3A_672 = tpu.vector_load %arg9[%get3A_670, %get3A_671] {strides = array<i32>} : memref<16x512xf32, #tpu.memory_space<vmem>>, vector<1x16xf32>,
      %get3A_673 = vector.shape_cast %get3A_672 : vector<1x16xf32> to vector<16xf32>
      %get3A_674 = arith.constant 12 : i32
      %get3A_675 = arith.index_cast %get3A_674 : i32 to index
      %get3A_676 = arith.index_cast %mul3A_526 : i32 to index
      %get3A_677 = tpu.vector_load %arg10[%get3A_675, %get3A_676] {strides = array<i32>} : memref<16x512xf32, #tpu.memory_space<vmem>>, vector<1x16xf32>,
      %get3A_678 = vector.shape_cast %get3A_677 : vector<1x16xf32> to vector<16xf32>
      %mul3A_679 = arith.mulf %get3A_673, %get3A_678 : vector<16xf32>
      %add3A_680 = arith.addf %add3A_668, %mul3A_679 : vector<16xf32>
      %get3A_681 = arith.constant 13 : i32
      %get3A_682 = arith.index_cast %get3A_681 : i32 to index
      %get3A_683 = arith.index_cast %mul3A_526 : i32 to index
      %get3A_684 = tpu.vector_load %arg9[%get3A_682, %get3A_683] {strides = array<i32>} : memref<16x512xf32, #tpu.memory_space<vmem>>, vector<1x16xf32>,
      %get3A_685 = vector.shape_cast %get3A_684 : vector<1x16xf32> to vector<16xf32>
      %get3A_686 = arith.constant 13 : i32
      %get3A_687 = arith.index_cast %get3A_686 : i32 to index
      %get3A_688 = arith.index_cast %mul3A_526 : i32 to index
      %get3A_689 = tpu.vector_load %arg10[%get3A_687, %get3A_688] {strides = array<i32>} : memref<16x512xf32, #tpu.memory_space<vmem>>, vector<1x16xf32>,
      %get3A_690 = vector.shape_cast %get3A_689 : vector<1x16xf32> to vector<16xf32>
      %mul3A_691 = arith.mulf %get3A_685, %get3A_690 : vector<16xf32>
      %add3A_692 = arith.addf %add3A_680, %mul3A_691 : vector<16xf32>
      %get3A_693 = arith.constant 14 : i32
      %get3A_694 = arith.index_cast %get3A_693 : i32 to index
      %get3A_695 = arith.index_cast %mul3A_526 : i32 to index
      %get3A_696 = tpu.vector_load %arg9[%get3A_694, %get3A_695] {strides = array<i32>} : memref<16x512xf32, #tpu.memory_space<vmem>>, vector<1x16xf32>,
      %get3A_697 = vector.shape_cast %get3A_696 : vector<1x16xf32> to vector<16xf32>
      %get3A_698 = arith.constant 14 : i32
      %get3A_699 = arith.index_cast %get3A_698 : i32 to index
      %get3A_700 = arith.index_cast %mul3A_526 : i32 to index
      %get3A_701 = tpu.vector_load %arg10[%get3A_699, %get3A_700] {strides = array<i32>} : memref<16x512xf32, #tpu.memory_space<vmem>>, vector<1x16xf32>,
      %get3A_702 = vector.shape_cast %get3A_701 : vector<1x16xf32> to vector<16xf32>
      %mul3A_703 = arith.mulf %get3A_697, %get3A_702 : vector<16xf32>
      %add3A_704 = arith.addf %add3A_692, %mul3A_703 : vector<16xf32>
      %get3A_705 = arith.constant 15 : i32
      %get3A_706 = arith.index_cast %get3A_705 : i32 to index
      %get3A_707 = arith.index_cast %mul3A_526 : i32 to index
      %get3A_708 = tpu.vector_load %arg9[%get3A_706, %get3A_707] {strides = array<i32>} : memref<16x512xf32, #tpu.memory_space<vmem>>, vector<1x16xf32>,
      %get3A_709 = vector.shape_cast %get3A_708 : vector<1x16xf32> to vector<16xf32>
      %get3A_710 = arith.constant 15 : i32
      %get3A_711 = arith.index_cast %get3A_710 : i32 to index
      %get3A_712 = arith.index_cast %mul3A_526 : i32 to index
      %get3A_713 = tpu.vector_load %arg10[%get3A_711, %get3A_712] {strides = array<i32>} : memref<16x512xf32, #tpu.memory_space<vmem>>, vector<1x16xf32>,
      %get3A_714 = vector.shape_cast %get3A_713 : vector<1x16xf32> to vector<16xf32>
      %mul3A_715 = arith.mulf %get3A_709, %get3A_714 : vector<16xf32>
      %add3A_716 = arith.addf %add3A_704, %mul3A_715 : vector<16xf32>
      %swap3A = arith.index_cast %mul3A_526 : i32 to index
      %swap3A_717 = tpu.vector_load %arg11[%swap3A] {strides = array<i32>} : memref<512xf32, #tpu.memory_space<vmem>>, vector<16xf32>,
      %swap3A_718 = vector.shape_cast %swap3A_717 : vector<16xf32> to vector<16xf32>
      %swap3A_719 = vector.shape_cast %add3A_716 : vector<16xf32> to vector<16xf32>
      tpu.vector_store %arg11[%swap3A], %swap3A_719 {strides = array<i32>} : memref<512xf32, #tpu.memory_space<vmem>>, vector<16xf32>,
    }
    %scan3A_523 = arith.constant 32 : i32
    "tpu.region"() ({
      %run_scoped3A = tpu.sem_alloc : memref<!tpu.dma_semaphore, #tpu.memory_space<semaphore_mem>>
      %dma_start3A_524 = tpu.memref_slice %arg6[%mul3A_2] : memref<16384xf32, #tpu.memory_space<hbm>> -> memref<512xf32, #tpu.memory_space<hbm>>
      %dma_start3A_525 = tpu.memref_slice %arg6[%mul3A_2] : memref<16384xf32, #tpu.memory_space<hbm>> -> memref<512xf32, #tpu.memory_space<hbm>>
      tpu.enqueue_dma source(%arg11 : memref<512xf32, #tpu.memory_space<vmem>>) target(%dma_start3A_525 : memref<512xf32, #tpu.memory_space<hbm>>) target_semaphore(%run_scoped3A : memref<!tpu.dma_semaphore, #tpu.memory_space<semaphore_mem>>)
      %dma_wait3A_526 = tpu.memref_slice %arg6[%mul3A_2] : memref<16384xf32, #tpu.memory_space<hbm>> -> memref<512xf32, #tpu.memory_space<hbm>>
      %dma_wait3A_527 = tpu.memref_slice %arg6[%mul3A_2] : memref<16384xf32, #tpu.memory_space<hbm>> -> memref<512xf32, #tpu.memory_space<hbm>>
      tpu.wait_dma2 semaphore(%run_scoped3A : memref<!tpu.dma_semaphore, #tpu.memory_space<semaphore_mem>>) src(%arg11 : memref<512xf32, #tpu.memory_space<vmem>>) dst(%dma_wait3A_527 : memref<512xf32, #tpu.memory_space<hbm>>)
      tpu.yield
    }) : () -> ()
    return
  }
}

module attributes {stable_mosaic.version = 14 : i64} {
  func.func @body(%arg0: i32, %arg1: i32, %arg2: memref<8x131072xf32, #tpu.memory_space<vmem>>, %arg3: memref<8x131072xf32, #tpu.memory_space<vmem>>, %arg4: memref<1x1024x8x128xf32, #tpu.memory_space<vmem>>, %arg5: memref<1x1024x8x128xf32, #tpu.memory_space<vmem>>) attributes {dimension_semantics = [#tpu.dimension_semantics<arbitrary>, #tpu.dimension_semantics<arbitrary>], iteration_bounds = array<i64: 2, 8>, scalar_prefetch = 0 : i64, scratch_operands = 0 : i64, tpu.core_type = #tpu.core_type<tc>, window_params = [{transform_indices = @transform_0, window_bounds = array<i64: 8, 131072>}, {transform_indices = @transform_1, window_bounds = array<i64: 8, 131072>}, {transform_indices = @transform_2, window_bounds = array<i64: 1, 1024, 8, 128>}, {transform_indices = @transform_3, window_bounds = array<i64: 1, 1024, 8, 128>}]} {
    %get3A = arith.constant 0 : index
    %get3A_0 = arith.constant 0 : index
    %get3A_1 = vector.load %arg2[%get3A, %get3A_0] : memref<8x131072xf32, #tpu.memory_space<vmem>>, vector<8x131072xf32>
    %reshape3A = vector.shape_cast %get3A_1 : vector<8x131072xf32> to vector<8x1024x128xf32>
    %transpose3A = tpu.transpose %reshape3A, [1, 0, 2] : vector<8x1024x128xf32> -> vector<1024x8x128xf32>
    %reshape3A_2 = vector.shape_cast %transpose3A : vector<1024x8x128xf32> to vector<1x1024x8x128xf32>
    %swap3A = arith.constant 0 : index
    %swap3A_3 = arith.constant 0 : index
    %swap3A_4 = arith.constant 0 : index
    %swap3A_5 = arith.constant 0 : index
    %swap3A_6 = vector.load %arg4[%swap3A, %swap3A_3, %swap3A_4, %swap3A_5] : memref<1x1024x8x128xf32, #tpu.memory_space<vmem>>, vector<1x1024x8x128xf32>
    tpu.vector_store %arg4[%swap3A, %swap3A_3, %swap3A_4, %swap3A_5], %reshape3A_2 {strides = array<i32>} : memref<1x1024x8x128xf32, #tpu.memory_space<vmem>>, vector<1x1024x8x128xf32>,
    %get3A_7 = arith.constant 0 : index
    %get3A_8 = arith.constant 0 : index
    %get3A_9 = vector.load %arg3[%get3A_7, %get3A_8] : memref<8x131072xf32, #tpu.memory_space<vmem>>, vector<8x131072xf32>
    %reshape3A_10 = vector.shape_cast %get3A_9 : vector<8x131072xf32> to vector<8x1024x128xf32>
    %transpose3A_11 = tpu.transpose %reshape3A_10, [1, 0, 2] : vector<8x1024x128xf32> -> vector<1024x8x128xf32>
    %reshape3A_12 = vector.shape_cast %transpose3A_11 : vector<1024x8x128xf32> to vector<1x1024x8x128xf32>
    %swap3A_13 = arith.constant 0 : index
    %swap3A_14 = arith.constant 0 : index
    %swap3A_15 = arith.constant 0 : index
    %swap3A_16 = arith.constant 0 : index
    %swap3A_17 = vector.load %arg5[%swap3A_13, %swap3A_14, %swap3A_15, %swap3A_16] : memref<1x1024x8x128xf32, #tpu.memory_space<vmem>>, vector<1x1024x8x128xf32>
    tpu.vector_store %arg5[%swap3A_13, %swap3A_14, %swap3A_15, %swap3A_16], %reshape3A_12 {strides = array<i32>} : memref<1x1024x8x128xf32, #tpu.memory_space<vmem>>, vector<1x1024x8x128xf32>,
    return
  }
  func.func @transform_0(%arg0: i32, %arg1: i32) -> (i32, i32) {
    %c0_i32 = arith.constant 0 : i32
    return %arg0, %arg1 : i32, i32
  }
  func.func @transform_1(%arg0: i32, %arg1: i32) -> (i32, i32) {
    %c0_i32 = arith.constant 0 : i32
    return %arg0, %arg1 : i32, i32
  }
  func.func @transform_2(%arg0: i32, %arg1: i32) -> (i32, i32, i32, i32) {
    %c0_i32 = arith.constant 0 : i32
    %c0_i32_0 = arith.constant 0 : i32
    %c0_i32_1 = arith.constant 0 : i32
    return %arg0, %arg1, %c0_i32, %c0_i32_0 : i32, i32, i32, i32
  }
  func.func @transform_3(%arg0: i32, %arg1: i32) -> (i32, i32, i32, i32) {
    %c0_i32 = arith.constant 0 : i32
    %c0_i32_0 = arith.constant 0 : i32
    %c0_i32_1 = arith.constant 0 : i32
    return %arg0, %arg1, %c0_i32, %c0_i32_0 : i32, i32, i32, i32
  }
}

</mosaic_0001>

<sc_bundles>
// kernel: kernel.4.cloned.1.call-start
scs
__scs_entry_jumppad:
0x0: {  	(pc) =	sbr.rel $0x88, $3  }
0x1: {  	(tag) =	ssettag $0x0;
	lr =	simm.s32 $0x1  }
0x2: {  	[smem:$0x3F9E] =	sst lr;
	_ =	strace $0xD0000000  }
0x3: {  	_ = 	snop  }
0x4: {  	_ = 	snop  }
0x5: {  	_ = 	snop  }
0x6: {  	_ = 	snop  }
0x7: {  	_ = 	snop  }
__scs_overlays_trampoline_lowered:
0x8: {  	[smem:$0x3FAD] =	sst s0  }
0x9: {  	[smem:$0x3FAE] =	sst s1  }
0xa: {  	[smem:$0x3FAF] =	sst s2  }
0xb: {  	[smem:$0x3FB0] =	sst s3  }
0xc: {  	[smem:$0x3FB1] =	sst s4  }
0xd: {  	[smem:$0x3FB2] =	sst s5  }
0xe: {  	[smem:$0x3FB3] =	sst s6  }
0xf: {  	[smem:$0x3FB4] =	sst s7  }
0x10: {  	[smem:$0x3FB5] =	sst s8  }
0x11: {  	[smem:$0x3FB6] =	sst s9;
	s0 =	simm.s32 @!p0 $0x0  }
0x12: {  	s1 =	sld [smem:$0x3F9C];
	s0 =	simm.s32 @p0 $0x1  }
0x13: {  	[smem:$0x3FB7] =	sst s0;
	s0 =	simm.s32 @!p1 $0x0  }
0x14: {  	s2 =	sld [smem:$0x3F9B];
	s0 =	simm.s32 @p1 $0x1  }
0x15: {  	[smem:$0x3FB8] =	sst s0;
	s0 =	simm.s32 @!p2 $0x0  }
0x16: {  	s3 =	sld [smem:$0x3FDB];
	s0 =	simm.s32 @p2 $0x1  }
0x17: {  	s4 =	simm.s32 $0x1BF5;
	[smem:$0x3FBA] =	sst s0  }
0x18: {  	s0 =	sld [smem:$0x3F9D];
	_ =	swait.ge [sflag:s4], $0x0  }
0x19: {  	s7 =	sld [smem:$0x3F9E]  }
0x1a: {  	s8 =	sadd.s32 $0xFFFFE003, lr  }
0x1b: {  	s9 =	sadd.s32 $0xFFFFFEF7, lr;
	s5 =	simm.s32 $0xFFFFFFFF;
	p2 =	slt.u32 s8, $0xFFFFF086  }
0x1c: {  	p1 =	slt.u32 s9, $0xF7A;
	s5 =	simm.s32 @!p2 $0x0  }
0x1d: {  	s5 =	simm.s32 @p1 $0x1;
	p0 =	seq.s32 s7, s2  }
0x1e: {  	s7 =	smul.u32 @!p0 $0xF7A, s2;
	p2 =	seq.s32 @!p0 s5, $0x0  }
0x1f: {  	s9 =	smul.u32 $0xF7A, s1;
	s8 =	simm.s32 @!p0 $0x1BF5;
	p2 =	por !p2, p0  }
0x20: {  	[sflag:s8] =	ssyncset.s32 @!p0 $0xFFFFF086;
	s6 =	sadd.s32 @!p0 s3, s7;
	s7 =	simm.s32 @!p0 $0x108  }
0x21: {  	s3 =	sadd.s32 s3, s9;
	s6 =	sadd.s32 @!p0 $0x88, s6;
	s7 =	simm.s32 @p2 $0x1082  }
0x22: {  	[simem:s7], [sflag:s8] =	dma.local @!p0 [hbm:s6], $0xF7A  }
0x23: {  	s9 =	sor.u32 $0xD0000000, s2;
	s6 =	simm.s32 $0x108;
	_ =	swait.ge @!p0 [sflag:s8], $0x0  }
0x24: {  	s3 =	sadd.s32 $0x88, s3;
	s6 =	simm.s32 @!p1 $0x1082;
	[sflag:s4] =	ssyncset.s32 $0xFFFFF086  }
0x25: {  	[simem:s6], [sflag:s4] =	dma.local [hbm:s3], $0xF7A  }
0x26: {  	[smem:$0x3F9E] =	sst s1;
	(tag) =	ssettag s2;
	_ =	strace s9  }
0x27: {  	s1 =	sld [smem:$0x3FAE]  }
0x28: {  	s2 =	sld [smem:$0x3FAF]  }
0x29: {  	s4 =	sld [smem:$0x3FB1]  }
0x2a: {  	p0 =	seq.s32 s5, $0x0;
	s5 =	sld [smem:$0x3FB2]  }
0x2b: {  	s6 =	sld [smem:$0x3FB3]  }
0x2c: {  	s7 =	sld [smem:$0x3FB4]  }
0x2d: {  	s3 =	simm.s32 $0x108;
	s8 =	sld [smem:$0x3FB5]  }
0x2e: {  	s3 =	simm.s32 @!p0 $0x1082;
	s9 =	sld [smem:$0x3FB6]  }
0x2f: {  	lr =	sadd.s32 s0, s3;
	s0 =	sld [smem:$0x3FAD]  }
0x30: {  	s3 =	sld [smem:$0x3FB0]  }
0x31: {  	[smem:$0x3FB9] =	sst s10  }
0x32: {  	s10 =	sld [smem:$0x3FB7];
	_ =	sdelay $0x3  }
0x33: {  	p0 =	seq.s32 s10, $0x1;
	s10 =	sld [smem:$0x3FB9];
	_ =	sdelay $0x3  }
0x34: {  	[smem:$0x3FB9] =	sst s10  }
0x35: {  	s10 =	sld [smem:$0x3FB8];
	_ =	sdelay $0x3  }
0x36: {  	p1 =	seq.s32 s10, $0x1;
	s10 =	sld [smem:$0x3FB9];
	_ =	sdelay $0x3  }
0x37: {  	[smem:$0x3FB9] =	sst s10  }
0x38: {  	s10 =	sld [smem:$0x3FBA]  }
0x39: {  	_ = 	snop;
	(pc) =	sbr.ind lr, $3  }
0x3a: {  	_ = 	snop  }
0x3b: {  	_ = 	snop  }
0x3c: {  	p2 =	seq.s32 s10, $0x1;
	s10 =	sld [smem:$0x3FB9]  }
0x3d: {  	_ =	shalt  }
0x3e: {  	_ =	shalt  }
0x3f: {  	_ =	shalt  }
0x40: {  	_ =	shalt  }
0x41: {  	_ =	shalt  }
0x42: {  	_ =	shalt  }
0x43: {  	_ =	shalt  }
0x44: {  	_ =	shalt  }
0x45: {  	_ =	shalt  }
0x46: {  	_ =	shalt  }
0x47: {  	_ =	shalt  }
0x48: {  	_ =	shalt  }
0x49: {  	_ =	shalt  }
0x4a: {  	_ =	shalt  }
0x4b: {  	_ =	shalt  }
0x4c: {  	_ =	shalt  }
0x4d: {  	_ =	shalt  }
0x4e: {  	_ =	shalt  }
0x4f: {  	_ =	shalt  }
0x50: {  	_ =	shalt  }
0x51: {  	_ =	shalt  }
0x52: {  	_ =	shalt  }
0x53: {  	_ =	shalt  }
0x54: {  	_ =	shalt  }
0x55: {  	_ =	shalt  }
0x56: {  	_ =	shalt  }
0x57: {  	_ =	shalt  }
0x58: {  	_ =	shalt  }
0x59: {  	_ =	shalt  }
0x5a: {  	_ =	shalt  }
0x5b: {  	_ =	shalt  }
0x5c: {  	_ =	shalt  }
0x5d: {  	_ =	shalt  }
0x5e: {  	_ =	shalt  }
0x5f: {  	_ =	shalt  }
0x60: {  	_ =	shalt  }
0x61: {  	_ =	shalt  }
0x62: {  	_ =	shalt  }
0x63: {  	_ =	shalt  }
0x64: {  	_ =	shalt  }
0x65: {  	_ =	shalt  }
0x66: {  	_ =	shalt  }
0x67: {  	_ =	shalt  }
0x68: {  	_ =	shalt  }
0x69: {  	_ =	shalt  }
0x6a: {  	_ =	shalt  }
0x6b: {  	_ =	shalt  }
0x6c: {  	_ =	shalt  }
0x6d: {  	_ =	shalt  }
0x6e: {  	_ =	shalt  }
0x6f: {  	_ =	shalt  }
0x70: {  	_ =	shalt  }
0x71: {  	_ =	shalt  }
0x72: {  	_ =	shalt  }
0x73: {  	_ =	shalt  }
0x74: {  	_ =	shalt  }
0x75: {  	_ =	shalt  }
0x76: {  	_ =	shalt  }
0x77: {  	_ =	shalt  }
0x78: {  	_ =	shalt  }
0x79: {  	_ =	shalt  }
0x7a: {  	_ =	shalt  }
0x7b: {  	_ =	shalt  }
0x7c: {  	_ =	shalt  }
0x7d: {  	_ =	shalt  }
0x7e: {  	_ =	shalt  }
0x7f: {  	_ =	shalt  }
0x80: {  	_ =	shalt  }
0x81: {  	_ =	shalt  }
0x82: {  	_ =	shalt  }
0x83: {  	_ =	shalt  }
0x84: {  	_ =	shalt  }
0x85: {  	_ =	shalt  }
0x86: {  	_ =	shalt  }
0x87: {  	_ =	shalt  }
.Lfunc_end0:
.L_simem_size_0:
called_computation_lowered:
.L_overlay_start_0:
0x88: {  	s2 =	sld [smem:$0x3FD9]  }
0x89: {  	s3 =	sld [smem:$0x3FFE];
	_ =	sdelay $0x1  }
0x8a: {  	s1 =	srdreg.scid  }
0x8b: {  	s0 =	sand.u32 $0x1, s1  }
0x8c: {  	s17 =	sshll.u32 s0, $0xA;
	s2 =	sadd.s32 s3, s2  }
0x8d: {  	s2 =	sadd.s32 s2, s17  }
0x8e: {  	[smem:$0x3FC5] =	sst s2  }
0x8f: {  	_ = 	snop  }
0x90: {  	s2 =	sld [smem:$0x3FD0];
	(tm) =	ssettm $0x1  }
0x91: {  	s18 =	sld [smem:$0x3FFB];
	_ =	sdelay $0x3  }
0x92: {  	_ =	strace s18  }
0x93: {  	s3 =	sld [smem:$0x3FFC];
	_ =	sdelay $0x3  }
0x94: {  	_ =	strace s3  }
0x95: {  	s3 =	sld [smem:$0x3FFD];
	_ =	sdelay $0x3  }
0x96: {  	_ =	strace s3  }
0x97: {  	_ =	strace $0x8FFFFFFF  }
0x98: {  	s19 =	sld [smem:$0x3FDB];
	_ =	sdelay $0x1  }
0x99: {  	s4 =	simm.s32 $_scs_section_size  }
0x9a: {  	s5 =	simm.s32 $_size__tile_overlayer_lowered;
	s6 =	simm.s32 $_tile_overlayer_lowered  }
0x9b: {  	s22 =	simm.s32 $0x1BFF;
	s21 =	sshll.u32 s6, $0x1;
	s3 =	sadd.s32 s4, s19  }
0x9c: {  	s7 =	simm.s32 $0x0;
	s20 =	sshll.u32 s5, $0x1;
	s5 =	sadd.s32 s21, s3  }
0x9d: {  	[timem:s7], [sflag:s22] =	dma.local [hbm:s5], s20  }
0x9e: {  	_ =	swait.ge [sflag:s22], s20  }
0x9f: {  	s4 =	ssub.s32 $0x0, s20;
	[sflag:s22] =	ssyncset.done $0x0  }
0xa0: {  	[sflag:s22] =	ssyncadd.s32 s4;
	_ =	sdelay $0x1  }
0xa1: {  	s23 =	simm.s32 $0x1B8B  }
0xa2: {  	_ =	swait.ge [sflag:s23], $0x1  }
0xa3: {  	[sflag:s23] =	ssyncset.done $0x0  }
0xa4: {  	s25 =	simm.s32 $0x1B8E;
	s24 =	sld [smem:$0x3FFE];
	[sflag:s23] =	ssyncadd.s32 $0xFFFFFFFF  }
0xa5: {  	s26 =	simm.s32 $execute0_lowered;
	[smem:$0x3FD2] =	sst s25  }
0xa6: {  	s5 =	sshll.u32 s26, $0x1;
	_ =	strace $0x80000046;
	[dreg:$0x1] =	wrdreg $0xFFFFFFFF  }
0xa7: {  	s28 =	simm.s32 $_size_execute0_lowered;
	s3 =	sadd.s32 s3, s5;
	[dreg:$0x0] =	wrdreg $0x0  }
0xa8: {  	s5 =	sshll.u32 s28, $0x1;
	[dreg:$0x2] =	wrdreg s3  }
0xa9: {  	[dreg:$0x3] =	wrdreg s5  }
0xaa: {  	[dreg:$0x4] =	wrdreg $0xC0  }
0xab: {  	_ =	task [dreg:s7], $0x5FFFF  }
0xac: {  	[dreg:$0x1] =	wrdreg $0xFFFFFFFF  }
0xad: {  	[dreg:$0x0] =	wrdreg $0x60  }
0xae: {  	[dreg:$0x2] =	wrdreg s24  }
0xaf: {  	[dreg:$0x3] =	wrdreg s2  }
0xb0: {  	[dreg:$0x4] =	wrdreg $0x9  }
0xb1: {  	_ =	task.clear_ibuf [dreg:s7], $0x5FFFF;
	_ =	strace $0x90000046  }
0xb2: {  	s29 =	simm.s32 $0x9;
	_ =	strace $0x80000048  }
0xb3: {  	_ =	swait.ge [sflag:s29], $0x1  }
0xb4: {  	[sflag:s29] =	ssyncadd.s32 $0xFFFFFFFF  }
0xb5: {  	_ =	strace $0x90000048  }
0xb6: {  	_ =	sfence  }
0xb7: {  	s30 =	sld [smem:$0x0];
	_ =	sdelay $0x2  }
0xb8: {  	s31 =	sshll.u32 s1, $0xD;
	s1 =	sshrl.u32 s1, $0x2  }
0xb9: {  	s3 =	sand.u32 $0x4000, s31;
	s1 =	sadd.s32 s1, s30  }
0xba: {  	s0 =	sor.u32 s3, s0;
	s1 =	sshll.u32 s1, $0x11  }
0xbb: {  	s0 =	sor.u32 s1, s0  }
0xbc: {  	s0 =	sadd.s32 $0x8F2B, s0  }
0xbd: {  	[sflag:s0] =	ssyncadd.remote.s32 $0x1  }
0xbe: {  	_ =	sfence.sel $0xFFFF  }
0xbf: {  	[dreg:$0x0] =	wrdreg $0xFFFFFFFF;
	(pc) =	sbr.abs _section_cstart, $3  }
0xc0: {  	[dreg:$0x1] =	wrdreg $0xFFFFFFFF  }
0xc1: {  	_ =	task.clear_ibuf [dreg:s7], $0x2FFFF;
	_ =	strace $0x9FFFFFFF  }
0xc2: {  	(tm) =	ssettm $0x7FFFFFFF  }
0xc3: {  	_ =	shalt  }
tec
execute0_lowered:
.L_overlay_start_1:
0x0: {  	(tag) =	ssettag $0x1  }
0x1: {  	s7 =	rddreg [dreg:$0x0]  }
0x2: {  	s1 =	rddreg [dreg:$0x1];
	s0 =	srdreg.scid;
	s2 =	simm.s32 $0x0  }
0x3: {  	s3 =	stileid.u32;
	s9 =	simm.s32 $0x3;
	s10 =	simm.s32 $0x200  }
0x4: {  	s11 =	simm.s32 $0x1;
	[smem:$0x7FF] =	sst s2;
	s5 =	sadd.s32 $0x1800, s7  }
0x5: {  	s14 =	sadd.s32 $0x1E9E00, s7;
	_ =	strace $0x80000047;
	[dreg:$0x3] =	wrdreg s5  }
0x6: {  	s12 =	simm.s32 $0x2;
	s16 =	sadd.s32 $0x1810, s7;
	[dreg:$0x4] =	wrdreg s14  }
0x7: {  	s13 =	simm.s32 $0x0;
	s17 =	sadd.s32 $0x1E9E10, s7;
	[dreg:$0x7] =	wrdreg s16  }
0x8: {  	s0 =	sand.u32 $0x1, s0;
	s18 =	sadd.s32 $0x1E9E20, s7;
	[dreg:$0x8] =	wrdreg s17  }
0x9: {  	s3 =	sshll.u32 s3, $0x7;
	s19 =	sadd.s32 $0x1820, s7;
	[dreg:$0x9] =	wrdreg s18  }
0xa: {  	s20 =	sadd.s32 $0x1830, s7;
	s21 =	sadd.s32 $0x1E9E30, s7;
	[dreg:$0xa] =	wrdreg s19  }
0xb: {  	s22 =	sadd.s32 $0x1840, s7;
	s23 =	sadd.s32 $0x1E9E40, s7;
	[dreg:$0xb] =	wrdreg s20  }
0xc: {  	s24 =	sadd.s32 $0x1850, s7;
	s26 =	sadd.s32 $0x1E9E50, s7;
	[dreg:$0xc] =	wrdreg s21  }
0xd: {  	s28 =	sadd.s32 $0xF5AB0, s7;
	s29 =	sadd.s32 $0x2DE0B0, s7;
	[dreg:$0xd] =	wrdreg s22  }
0xe: {  	s30 =	sadd.s32 $0xF5AC0, s7;
	s31 =	sadd.s32 $0x2DE0C0, s7;
	[dreg:$0xe] =	wrdreg s23  }
0xf: {  	s6 =	sadd.s32 $0xF5AF0, s7;
	s4 =	sshll.u32 s0, $0x6;
	[dreg:$0xf] =	wrdreg s24  }
0x10: {  	s0 =	ssub.s32 $0x2, s0;
	[dreg:$0x10] =	wrdreg s26;
	s17 =	sadd.s32 $0x1E9E60, s7  }
0x11: {  	s18 =	sadd.s32 $0x1860, s7;
	s19 =	sadd.s32 $0x1870, s7;
	s20 =	sadd.s32 $0x1E9E70, s7  }
0x12: {  	s21 =	sadd.s32 $0xF5A80, s7;
	s22 =	sadd.s32 $0x2DE080, s7;
	s23 =	sadd.s32 $0xF5A90, s7  }
0x13: {  	s24 =	sadd.s32 $0x2DE090, s7;
	s26 =	sadd.s32 $0xF5AA0, s7;
	s3 =	sor.u32 s4, s3  }
0x14: {  	s5 =	sadd.s32 $0xF5AE0, s7;
	s25 =	sshrl.u32 s0, $0x1;
	s4 =	sadd.s32 s3, s7  }
0x15: {  	s8 =	ssub.s32 s0, s25;
	s25 =	sadd.s32 $0x2DE0A0, s7;
	s0 =	sadd.s32 $0xF5AD0, s7  }
0x16: {  	s1 =	sadd.s32 s1, s3;
	s3 =	sadd.s32 $0x2DE0D0, s7;
	s15 =	sadd.s32 $0x1000, s4  }
0x17: {  	s4 =	sadd.s32 $0x800, s4;
	s8 =	smax.u32 s8, $0x1;
	[dreg:$0x5] =	wrdreg s15  }
0x18: {  	[dreg:$0x6] =	wrdreg s4;
	s4 =	sadd.s32 $0x2DE0E0, s7;
	s7 =	sadd.s32 $0x2DE0F0, s7  }
.LBB2_1:
0x19: {  	s14 =	rddreg [dreg:$0x5]  }
0x1a: {  	[tilespmem:s2], [sflag:$0x3] =	stream.linear.gather [hbm4b:s14+s2], $0x200, $0x38;
	[tilespmem:$0x4600] =	vst v63  }
0x1b: {  	_ =	swait.ge [sflag:s9], $0x200  }
0x1c: {  	[sflag:s9] =	ssyncset.done $0x0  }
0x1d: {  	s16 =	rddreg [dreg:$0x6];
	[sflag:s9] =	ssyncadd.s32 $0xFFFFFE00  }
0x1e: {  	[tilespmem:s10], [sflag:$0x3] =	stream.linear.gather [hbm4b:s16+s2], $0x200, $0x38;
	[tilespmem:$0x4600] =	vst v63  }
0x1f: {  	_ =	swait.ge [sflag:s9], $0x200  }
0x20: {  	[sflag:s9] =	ssyncset.done $0x0  }
0x21: {  	s14 =	simm.s32 $0x0;
	[sflag:s9] =	ssyncadd.s32 $0xFFFFFE00  }
0x22: {  	s15 =	simm.s32 $0x40;
	v0 =	vld [tilespmem:s14+$0x0]  }
.LBB2_2:
0x23: {  	p0 =	sne.s32 s15, $0x7C0;
	v1 =	vld [tilespmem:s14+$0x200];
	_ =	sdelay $0x3  }
.Ltmp0:
0x24: {  	v2 =	vshll.u32 v0, $0x3;
	(pc) =	sbr.rel @p0 .LBB2_2-.Ltmp0, $4  }
0x25: {  	v0 =	vand.u32 $0x7F, v0;
	v2 =	vand.u32 $0xFFFFFC00, v2;
	v3 =	vshll.u32 v1, $0x3  }
0x26: {  	v1 =	vand.u32 $0x7F, v1;
	v0 =	vor.u32 v0, v2;
	v2 =	vand.u32 $0xFFFFFC00, v3  }
0x27: {  	s16 =	sshra.s32 s15, $0x2;
	[tilespmem:s14+$0x0] =	vst v0;
	v1 =	vor.u32 v1, v2  }
0x28: {  	s15 =	sadd.s32 $0x40, s15;
	v0 =	vld [tilespmem:s16+$0x0];
	[tilespmem:s14+$0x200] =	vst v1;
	s14 =	smov.u32 s16  }
0x29: {  	v1 =	vld [tilespmem:s14+$0x200];
	_ =	sdelay $0x3  }
0x2a: {  	v2 =	vshll.u32 v0, $0x3  }
0x2b: {  	v0 =	vand.u32 $0x7F, v0;
	v2 =	vand.u32 $0xFFFFFC00, v2;
	v3 =	vshll.u32 v1, $0x3  }
0x2c: {  	v1 =	vand.u32 $0x7F, v1;
	v0 =	vor.u32 v0, v2;
	v2 =	vand.u32 $0xFFFFFC00, v3  }
0x2d: {  	[tilespmem:s14+$0x0] =	vst v0;
	v0 =	vor.u32 v1, v2  }
0x2e: {  	s15 =	rddreg [dreg:$0x3];
	s16 =	simm.s32 $0x400;
	[tilespmem:s14+$0x200] =	vst v0;
	s14 =	simm.s32 $0x0  }
0x2f: {  	[tilespmem:s16], [sflag:$0x1] =	stream.indirect.gather [hbm4b:s15+s10], $0x1, s14, s10, $0xb8;
	[tilespmem:$0x4600] =	vst v63  }
0x30: {  	s15 =	rddreg [dreg:$0x4];
	s16 =	simm.s32 $0x2400  }
0x31: {  	[tilespmem:s16], [sflag:$0x2] =	stream.indirect.gather [hbm4b:s15+s10], $0x1, s10, s10, $0xb8;
	[tilespmem:$0x4600] =	vst v63  }
0x32: {  	s15 =	rddreg [dreg:$0x7];
	s16 =	simm.s32 $0x600  }
0x33: {  	[tilespmem:s16], [sflag:$0x1] =	stream.indirect.gather [hbm4b:s15+s10], $0x1, s14, s10, $0xb8;
	[tilespmem:$0x4600] =	vst v63  }
0x34: {  	s15 =	rddreg [dreg:$0x8];
	s16 =	simm.s32 $0x2600  }
0x35: {  	[tilespmem:s16], [sflag:$0x2] =	stream.indirect.gather [hbm4b:s15+s10], $0x1, s10, s10, $0xb8;
	[tilespmem:$0x4600] =	vst v63  }
0x36: {  	s15 =	rddreg [dreg:$0xa];
	s16 =	simm.s32 $0x800  }
0x37: {  	[tilespmem:s16], [sflag:$0x1] =	stream.indirect.gather [hbm4b:s15+s10], $0x1, s14, s10, $0xb8;
	[tilespmem:$0x4600] =	vst v63  }
0x38: {  	s15 =	rddreg [dreg:$0x9];
	s16 =	simm.s32 $0x2800  }
0x39: {  	[tilespmem:s16], [sflag:$0x2] =	stream.indirect.gather [hbm4b:s15+s10], $0x1, s10, s10, $0xb8;
	[tilespmem:$0x4600] =	vst v63  }
0x3a: {  	s15 =	rddreg [dreg:$0xb];
	s16 =	simm.s32 $0xA00  }
0x3b: {  	[tilespmem:s16], [sflag:$0x1] =	stream.indirect.gather [hbm4b:s15+s10], $0x1, s14, s10, $0xb8;
	[tilespmem:$0x4600] =	vst v63  }
0x3c: {  	s15 =	rddreg [dreg:$0xc];
	s16 =	simm.s32 $0x2A00  }
0x3d: {  	[tilespmem:s16], [sflag:$0x2] =	stream.indirect.gather [hbm4b:s15+s10], $0x1, s10, s10, $0xb8;
	[tilespmem:$0x4600] =	vst v63  }
0x3e: {  	s15 =	rddreg [dreg:$0xd];
	s16 =	simm.s32 $0xC00  }
0x3f: {  	[tilespmem:s16], [sflag:$0x1] =	stream.indirect.gather [hbm4b:s15+s10], $0x1, s14, s10, $0xb8;
	[tilespmem:$0x4600] =	vst v63  }
0x40: {  	s15 =	rddreg [dreg:$0xe];
	s16 =	simm.s32 $0x2C00  }
0x41: {  	[tilespmem:s16], [sflag:$0x2] =	stream.indirect.gather [hbm4b:s15+s10], $0x1, s10, s10, $0xb8;
	[tilespmem:$0x4600] =	vst v63  }
0x42: {  	s15 =	rddreg [dreg:$0xf];
	s16 =	simm.s32 $0xE00  }
0x43: {  	[tilespmem:s16], [sflag:$0x1] =	stream.indirect.gather [hbm4b:s15+s10], $0x1, s14, s10, $0xb8;
	[tilespmem:$0x4600] =	vst v63  }
0x44: {  	s15 =	rddreg [dreg:$0x10];
	s16 =	simm.s32 $0x2E00  }
0x45: {  	[tilespmem:s16], [sflag:$0x2] =	stream.indirect.gather [hbm4b:s15+s10], $0x1, s10, s10, $0xb8;
	[tilespmem:$0x4600] =	vst v63  }
0x46: {  	s16 =	simm.s32 $0x1000  }
0x47: {  	[tilespmem:s16], [sflag:$0x1] =	stream.indirect.gather [hbm4b:s18+s10], $0x1, s14, s10, $0xb8;
	[tilespmem:$0x4600] =	vst v63  }
0x48: {  	s16 =	simm.s32 $0x3000  }
0x49: {  	[tilespmem:s16], [sflag:$0x2] =	stream.indirect.gather [hbm4b:s17+s10], $0x1, s10, s10, $0xb8;
	[tilespmem:$0x4600] =	vst v63  }
0x4a: {  	s16 =	simm.s32 $0x1200  }
0x4b: {  	[tilespmem:s16], [sflag:$0x1] =	stream.indirect.gather [hbm4b:s19+s10], $0x1, s14, s10, $0xb8;
	[tilespmem:$0x4600] =	vst v63  }
0x4c: {  	s16 =	simm.s32 $0x3200  }
0x4d: {  	[tilespmem:s16], [sflag:$0x2] =	stream.indirect.gather [hbm4b:s20+s10], $0x1, s10, s10, $0xb8;
	[tilespmem:$0x4600] =	vst v63  }
0x4e: {  	s16 =	simm.s32 $0x1400  }
0x4f: {  	[tilespmem:s16], [sflag:$0x1] =	stream.indirect.gather [hbm4b:s21+s10], $0x1, s14, s10, $0xb8;
	[tilespmem:$0x4600] =	vst v63  }
0x50: {  	s16 =	simm.s32 $0x3400  }
0x51: {  	[tilespmem:s16], [sflag:$0x2] =	stream.indirect.gather [hbm4b:s22+s10], $0x1, s10, s10, $0xb8;
	[tilespmem:$0x4600] =	vst v63  }
0x52: {  	s16 =	simm.s32 $0x1600  }
0x53: {  	[tilespmem:s16], [sflag:$0x1] =	stream.indirect.gather [hbm4b:s23+s10], $0x1, s14, s10, $0xb8;
	[tilespmem:$0x4600] =	vst v63  }
0x54: {  	s16 =	simm.s32 $0x3600  }
0x55: {  	[tilespmem:s16], [sflag:$0x2] =	stream.indirect.gather [hbm4b:s24+s10], $0x1, s10, s10, $0xb8;
	[tilespmem:$0x4600] =	vst v63  }
0x56: {  	s16 =	simm.s32 $0x1800  }
0x57: {  	[tilespmem:s16], [sflag:$0x1] =	stream.indirect.gather [hbm4b:s26+s10], $0x1, s14, s10, $0xb8;
	[tilespmem:$0x4600] =	vst v63  }
0x58: {  	s16 =	simm.s32 $0x3800  }
0x59: {  	[tilespmem:s16], [sflag:$0x2] =	stream.indirect.gather [hbm4b:s25+s10], $0x1, s10, s10, $0xb8;
	[tilespmem:$0x4600] =	vst v63  }
0x5a: {  	s16 =	simm.s32 $0x1A00  }
0x5b: {  	[tilespmem:s16], [sflag:$0x1] =	stream.indirect.gather [hbm4b:s28+s10], $0x1, s14, s10, $0xb8;
	[tilespmem:$0x4600] =	vst v63  }
0x5c: {  	s16 =	simm.s32 $0x3A00  }
0x5d: {  	[tilespmem:s16], [sflag:$0x2] =	stream.indirect.gather [hbm4b:s29+s10], $0x1, s10, s10, $0xb8;
	[tilespmem:$0x4600] =	vst v63  }
0x5e: {  	s16 =	simm.s32 $0x1C00  }
0x5f: {  	[tilespmem:s16], [sflag:$0x1] =	stream.indirect.gather [hbm4b:s30+s10], $0x1, s14, s10, $0xb8;
	[tilespmem:$0x4600] =	vst v63  }
0x60: {  	s16 =	simm.s32 $0x3C00  }
0x61: {  	[tilespmem:s16], [sflag:$0x2] =	stream.indirect.gather [hbm4b:s31+s10], $0x1, s10, s10, $0xb8;
	[tilespmem:$0x4600] =	vst v63  }
0x62: {  	s16 =	simm.s32 $0x1E00  }
0x63: {  	[tilespmem:s16], [sflag:$0x1] =	stream.indirect.gather [hbm4b:s0+s10], $0x1, s14, s10, $0xb8;
	[tilespmem:$0x4600] =	vst v63  }
0x64: {  	s16 =	simm.s32 $0x3E00  }
0x65: {  	[tilespmem:s16], [sflag:$0x2] =	stream.indirect.gather [hbm4b:s3+s10], $0x1, s10, s10, $0xb8;
	[tilespmem:$0x4600] =	vst v63  }
0x66: {  	s16 =	simm.s32 $0x2000  }
0x67: {  	[tilespmem:s16], [sflag:$0x1] =	stream.indirect.gather [hbm4b:s5+s10], $0x1, s14, s10, $0xb8;
	[tilespmem:$0x4600] =	vst v63  }
0x68: {  	s16 =	simm.s32 $0x4000  }
0x69: {  	[tilespmem:s16], [sflag:$0x2] =	stream.indirect.gather [hbm4b:s4+s10], $0x1, s10, s10, $0xb8;
	[tilespmem:$0x4600] =	vst v63  }
0x6a: {  	s16 =	simm.s32 $0x2200  }
0x6b: {  	[tilespmem:s16], [sflag:$0x1] =	stream.indirect.gather [hbm4b:s6+s10], $0x1, s14, s10, $0xb8;
	[tilespmem:$0x4600] =	vst v63  }
0x6c: {  	s16 =	simm.s32 $0x4200  }
0x6d: {  	[tilespmem:s16], [sflag:$0x2] =	stream.indirect.gather [hbm4b:s7+s10], $0x1, s10, s10, $0xb8;
	[tilespmem:$0x4600] =	vst v63  }
0x6e: {  	_ =	swait.ge [sflag:s11], $0x200  }
0x6f: {  	[sflag:s11] =	ssyncset.done $0x0  }
0x70: {  	[sflag:s11] =	ssyncadd.s32 $0xFFFFFE00  }
0x71: {  	_ =	swait.ge [sflag:s12], $0x200  }
0x72: {  	[sflag:s12] =	ssyncset.done $0x0  }
0x73: {  	[sflag:s12] =	ssyncadd.s32 $0xFFFFFE00  }
0x74: {  	_ =	swait.ge [sflag:s11], $0x200  }
0x75: {  	[sflag:s11] =	ssyncset.done $0x0  }
0x76: {  	[sflag:s11] =	ssyncadd.s32 $0xFFFFFE00  }
0x77: {  	_ =	swait.ge [sflag:s12], $0x200  }
0x78: {  	[sflag:s12] =	ssyncset.done $0x0  }
0x79: {  	[sflag:s12] =	ssyncadd.s32 $0xFFFFFE00  }
0x7a: {  	_ =	swait.ge [sflag:s11], $0x200  }
0x7b: {  	[sflag:s11] =	ssyncset.done $0x0  }
0x7c: {  	[sflag:s11] =	ssyncadd.s32 $0xFFFFFE00  }
0x7d: {  	_ =	swait.ge [sflag:s12], $0x200  }
0x7e: {  	[sflag:s12] =	ssyncset.done $0x0  }
0x7f: {  	[sflag:s12] =	ssyncadd.s32 $0xFFFFFE00  }
0x80: {  	_ =	swait.ge [sflag:s11], $0x200  }
0x81: {  	[sflag:s11] =	ssyncset.done $0x0  }
0x82: {  	[sflag:s11] =	ssyncadd.s32 $0xFFFFFE00  }
0x83: {  	_ =	swait.ge [sflag:s12], $0x200  }
0x84: {  	[sflag:s12] =	ssyncset.done $0x0  }
0x85: {  	[sflag:s12] =	ssyncadd.s32 $0xFFFFFE00  }
0x86: {  	_ =	swait.ge [sflag:s11], $0x200  }
0x87: {  	[sflag:s11] =	ssyncset.done $0x0  }
0x88: {  	[sflag:s11] =	ssyncadd.s32 $0xFFFFFE00  }
0x89: {  	_ =	swait.ge [sflag:s12], $0x200  }
0x8a: {  	[sflag:s12] =	ssyncset.done $0x0  }
0x8b: {  	[sflag:s12] =	ssyncadd.s32 $0xFFFFFE00  }
0x8c: {  	_ =	swait.ge [sflag:s11], $0x200  }
0x8d: {  	[sflag:s11] =	ssyncset.done $0x0  }
0x8e: {  	[sflag:s11] =	ssyncadd.s32 $0xFFFFFE00  }
0x8f: {  	_ =	swait.ge [sflag:s12], $0x200  }
0x90: {  	[sflag:s12] =	ssyncset.done $0x0  }
0x91: {  	[sflag:s12] =	ssyncadd.s32 $0xFFFFFE00  }
0x92: {  	_ =	swait.ge [sflag:s11], $0x200  }
0x93: {  	[sflag:s11] =	ssyncset.done $0x0  }
0x94: {  	[sflag:s11] =	ssyncadd.s32 $0xFFFFFE00  }
0x95: {  	_ =	swait.ge [sflag:s12], $0x200  }
0x96: {  	[sflag:s12] =	ssyncset.done $0x0  }
0x97: {  	[sflag:s12] =	ssyncadd.s32 $0xFFFFFE00  }
0x98: {  	_ =	swait.ge [sflag:s11], $0x200  }
0x99: {  	[sflag:s11] =	ssyncset.done $0x0  }
0x9a: {  	[sflag:s11] =	ssyncadd.s32 $0xFFFFFE00  }
0x9b: {  	_ =	swait.ge [sflag:s12], $0x200  }
0x9c: {  	[sflag:s12] =	ssyncset.done $0x0  }
0x9d: {  	[sflag:s12] =	ssyncadd.s32 $0xFFFFFE00  }
0x9e: {  	_ =	swait.ge [sflag:s11], $0x200  }
0x9f: {  	[sflag:s11] =	ssyncset.done $0x0  }
0xa0: {  	[sflag:s11] =	ssyncadd.s32 $0xFFFFFE00  }
0xa1: {  	_ =	swait.ge [sflag:s12], $0x200  }
0xa2: {  	[sflag:s12] =	ssyncset.done $0x0  }
0xa3: {  	[sflag:s12] =	ssyncadd.s32 $0xFFFFFE00  }
0xa4: {  	_ =	swait.ge [sflag:s11], $0x200  }
0xa5: {  	[sflag:s11] =	ssyncset.done $0x0  }
0xa6: {  	[sflag:s11] =	ssyncadd.s32 $0xFFFFFE00  }
0xa7: {  	_ =	swait.ge [sflag:s12], $0x200  }
0xa8: {  	[sflag:s12] =	ssyncset.done $0x0  }
0xa9: {  	[sflag:s12] =	ssyncadd.s32 $0xFFFFFE00  }
0xaa: {  	_ =	swait.ge [sflag:s11], $0x200  }
0xab: {  	[sflag:s11] =	ssyncset.done $0x0  }
0xac: {  	[sflag:s11] =	ssyncadd.s32 $0xFFFFFE00  }
0xad: {  	_ =	swait.ge [sflag:s12], $0x200  }
0xae: {  	[sflag:s12] =	ssyncset.done $0x0  }
0xaf: {  	[sflag:s12] =	ssyncadd.s32 $0xFFFFFE00  }
0xb0: {  	_ =	swait.ge [sflag:s11], $0x200  }
0xb1: {  	[sflag:s11] =	ssyncset.done $0x0  }
0xb2: {  	[sflag:s11] =	ssyncadd.s32 $0xFFFFFE00  }
0xb3: {  	_ =	swait.ge [sflag:s12], $0x200  }
0xb4: {  	[sflag:s12] =	ssyncset.done $0x0  }
0xb5: {  	[sflag:s12] =	ssyncadd.s32 $0xFFFFFE00  }
0xb6: {  	_ =	swait.ge [sflag:s11], $0x200  }
0xb7: {  	[sflag:s11] =	ssyncset.done $0x0  }
0xb8: {  	[sflag:s11] =	ssyncadd.s32 $0xFFFFFE00  }
0xb9: {  	_ =	swait.ge [sflag:s12], $0x200  }
0xba: {  	[sflag:s12] =	ssyncset.done $0x0  }
0xbb: {  	[sflag:s12] =	ssyncadd.s32 $0xFFFFFE00  }
0xbc: {  	_ =	swait.ge [sflag:s11], $0x200  }
0xbd: {  	[sflag:s11] =	ssyncset.done $0x0  }
0xbe: {  	[sflag:s11] =	ssyncadd.s32 $0xFFFFFE00  }
0xbf: {  	_ =	swait.ge [sflag:s12], $0x200  }
0xc0: {  	[sflag:s12] =	ssyncset.done $0x0  }
0xc1: {  	[sflag:s12] =	ssyncadd.s32 $0xFFFFFE00  }
0xc2: {  	_ =	swait.ge [sflag:s11], $0x200  }
0xc3: {  	[sflag:s11] =	ssyncset.done $0x0  }
0xc4: {  	[sflag:s11] =	ssyncadd.s32 $0xFFFFFE00  }
0xc5: {  	_ =	swait.ge [sflag:s12], $0x200  }
0xc6: {  	[sflag:s12] =	ssyncset.done $0x0  }
0xc7: {  	[sflag:s12] =	ssyncadd.s32 $0xFFFFFE00  }
0xc8: {  	_ =	swait.ge [sflag:s11], $0x200  }
0xc9: {  	[sflag:s11] =	ssyncset.done $0x0  }
0xca: {  	[sflag:s11] =	ssyncadd.s32 $0xFFFFFE00  }
0xcb: {  	_ =	swait.ge [sflag:s12], $0x200  }
0xcc: {  	[sflag:s12] =	ssyncset.done $0x0  }
0xcd: {  	s14 =	simm.s32 $0x0;
	[sflag:s12] =	ssyncadd.s32 $0xFFFFFE00  }
0xce: {  	v0 =	vld [tilespmem:s14+$0x400]  }
0xcf: {  	v1 =	vld [tilespmem:s14+$0x2400]  }
0xd0: {  	v2 =	vld [tilespmem:s14+$0x600]  }
0xd1: {  	v3 =	vld [tilespmem:s14+$0x2600]  }
0xd2: {  	v4 =	vld [tilespmem:s14+$0x800]  }
0xd3: {  	v5 =	vld [tilespmem:s14+$0x2800]  }
0xd4: {  	v6 =	vld [tilespmem:s14+$0xA00]  }
0xd5: {  	v7 =	vld [tilespmem:s14+$0x2A00]  }
0xd6: {  	v0 =	vmul.f32 v1, v0;
	v1 =	vmul.f32 v3, v2;
	v2 =	vld [tilespmem:s14+$0xC00]  }
0xd7: {  	v3 =	vld [tilespmem:s14+$0x2C00]  }
0xd8: {  	v0 =	vadd.f32 v1, v0;
	v1 =	vmul.f32 v5, v4;
	v4 =	vld [tilespmem:s14+$0xE00]  }
0xd9: {  	v5 =	vld [tilespmem:s14+$0x2E00]  }
0xda: {  	v0 =	vadd.f32 v1, v0;
	v1 =	vmul.f32 v7, v6;
	v6 =	vld [tilespmem:s14+$0x1000]  }
0xdb: {  	v7 =	vld [tilespmem:s14+$0x3000]  }
0xdc: {  	v0 =	vadd.f32 v1, v0;
	v1 =	vmul.f32 v3, v2;
	v2 =	vld [tilespmem:s14+$0x1200]  }
0xdd: {  	v3 =	vld [tilespmem:s14+$0x3200]  }
0xde: {  	v0 =	vadd.f32 v1, v0;
	v1 =	vmul.f32 v5, v4;
	v4 =	vld [tilespmem:s14+$0x1400]  }
0xdf: {  	v5 =	vld [tilespmem:s14+$0x3400]  }
0xe0: {  	v0 =	vadd.f32 v1, v0;
	v1 =	vmul.f32 v7, v6;
	v6 =	vld [tilespmem:s14+$0x1600]  }
0xe1: {  	v7 =	vld [tilespmem:s14+$0x3600]  }
0xe2: {  	v0 =	vadd.f32 v1, v0;
	v1 =	vmul.f32 v3, v2;
	v2 =	vld [tilespmem:s14+$0x1800]  }
0xe3: {  	v3 =	vld [tilespmem:s14+$0x3800]  }
0xe4: {  	v0 =	vadd.f32 v1, v0;
	v1 =	vmul.f32 v5, v4;
	v4 =	vld [tilespmem:s14+$0x1A00]  }
0xe5: {  	v5 =	vld [tilespmem:s14+$0x3A00]  }
0xe6: {  	v0 =	vadd.f32 v1, v0;
	v1 =	vmul.f32 v7, v6;
	v6 =	vld [tilespmem:s14+$0x1C00]  }
0xe7: {  	v7 =	vld [tilespmem:s14+$0x3C00]  }
0xe8: {  	v0 =	vadd.f32 v1, v0;
	v1 =	vmul.f32 v3, v2;
	v2 =	vld [tilespmem:s14+$0x1E00]  }
0xe9: {  	v3 =	vld [tilespmem:s14+$0x3E00]  }
0xea: {  	v8 =	vld [tilespmem:s14+$0x2000];
	v0 =	vadd.f32 v1, v0;
	v1 =	vmul.f32 v5, v4  }
0xeb: {  	v9 =	vld [tilespmem:s14+$0x4000]  }
0xec: {  	v4 =	vld [tilespmem:s14+$0x4200];
	v6 =	vmul.f32 v7, v6;
	v5 =	vadd.f32 v1, v0  }
0xed: {  	s15 =	simm.s32 $0x10;
	v1 =	vld [tilespmem:s14+$0x2200]  }
0xee: {  	v0 =	vld [tilespmem:s15+$0x400];
	v5 =	vadd.f32 v6, v5;
	v6 =	vmul.f32 v3, v2  }
0xef: {  	v2 =	vld [tilespmem:s15+$0x2400]  }
0xf0: {  	s16 =	simm.s32 $0x80;
	v3 =	vld [tilespmem:s15+$0x600];
	v5 =	vadd.f32 v6, v5;
	v6 =	vmul.f32 v9, v8  }
.LBB2_4:
0xf1: {  	p0 =	sne.s32 s16, $0x7C0;
	v7 =	vld [tilespmem:s15+$0x2600]  }
0xf2: {  	v8 =	vld [tilespmem:s15+$0x800];
	v5 =	vadd.f32 v6, v5;
	v1 =	vmul.f32 v4, v1  }
0xf3: {  	v4 =	vld [tilespmem:s15+$0x2800]  }
0xf4: {  	v6 =	vld [tilespmem:s15+$0xA00];
	v1 =	vadd.f32 v1, v5  }
0xf5: {  	v5 =	vld [tilespmem:s15+$0x2A00]  }
0xf6: {  	v0 =	vmul.f32 v2, v0;
	v2 =	vmul.f32 v7, v3;
	v3 =	vld [tilespmem:s15+$0xC00];
	[tilespmem:s14+$0x4400] =	vst v1;
	s14 =	smov.u32 s15  }
0xf7: {  	v1 =	vld [tilespmem:s14+$0x2C00]  }
0xf8: {  	v0 =	vadd.f32 v2, v0;
	v2 =	vmul.f32 v4, v8;
	v4 =	vld [tilespmem:s14+$0xE00]  }
0xf9: {  	v7 =	vld [tilespmem:s14+$0x2E00]  }
0xfa: {  	v0 =	vadd.f32 v2, v0;
	v2 =	vmul.f32 v5, v6;
	v5 =	vld [tilespmem:s14+$0x1000]  }
0xfb: {  	v6 =	vld [tilespmem:s14+$0x3000]  }
0xfc: {  	v0 =	vadd.f32 v2, v0;
	v1 =	vmul.f32 v1, v3;
	v2 =	vld [tilespmem:s14+$0x1200]  }
0xfd: {  	v3 =	vld [tilespmem:s14+$0x3200]  }
0xfe: {  	v0 =	vadd.f32 v1, v0;
	v1 =	vmul.f32 v7, v4;
	v4 =	vld [tilespmem:s14+$0x1400]  }
0xff: {  	v7 =	vld [tilespmem:s14+$0x3400]  }
0x100: {  	v0 =	vadd.f32 v1, v0;
	v1 =	vmul.f32 v6, v5;
	v5 =	vld [tilespmem:s14+$0x1600]  }
0x101: {  	v6 =	vld [tilespmem:s14+$0x3600]  }
0x102: {  	v0 =	vadd.f32 v1, v0;
	v1 =	vmul.f32 v3, v2;
	v2 =	vld [tilespmem:s14+$0x1800]  }
0x103: {  	v3 =	vld [tilespmem:s14+$0x3800]  }
0x104: {  	v0 =	vadd.f32 v1, v0;
	v1 =	vmul.f32 v7, v4;
	v4 =	vld [tilespmem:s14+$0x1A00]  }
0x105: {  	v7 =	vld [tilespmem:s14+$0x3A00]  }
0x106: {  	v0 =	vadd.f32 v1, v0;
	v1 =	vmul.f32 v6, v5;
	v5 =	vld [tilespmem:s14+$0x1C00]  }
0x107: {  	v6 =	vld [tilespmem:s14+$0x3C00]  }
0x108: {  	v0 =	vadd.f32 v1, v0;
	v1 =	vmul.f32 v3, v2;
	v2 =	vld [tilespmem:s14+$0x1E00]  }
0x109: {  	v3 =	vld [tilespmem:s14+$0x3E00]  }
0x10a: {  	v0 =	vadd.f32 v1, v0;
	v1 =	vmul.f32 v7, v4;
	v7 =	vld [tilespmem:s14+$0x2000]  }
0x10b: {  	v8 =	vld [tilespmem:s14+$0x4000]  }
.Ltmp1:
0x10c: {  	v9 =	vadd.f32 v1, v0;
	v5 =	vmul.f32 v6, v5;
	v1 =	vld [tilespmem:s14+$0x2200];
	(pc) =	sbr.rel @p0 .LBB2_4-.Ltmp1, $4  }
0x10d: {  	s15 =	sshra.s32 s16, $0x2;
	v4 =	vld [tilespmem:s14+$0x4200]  }
0x10e: {  	v0 =	vld [tilespmem:s15+$0x400];
	v5 =	vadd.f32 v5, v9;
	v6 =	vmul.f32 v3, v2  }
0x10f: {  	v2 =	vld [tilespmem:s15+$0x2400]  }
0x110: {  	s16 =	sadd.s32 $0x40, s16;
	v3 =	vld [tilespmem:s15+$0x600];
	v5 =	vadd.f32 v6, v5;
	v6 =	vmul.f32 v8, v7  }
0x111: {  	v7 =	vld [tilespmem:s15+$0x2600]  }
0x112: {  	v8 =	vld [tilespmem:s15+$0x800];
	v5 =	vadd.f32 v6, v5;
	v1 =	vmul.f32 v4, v1  }
0x113: {  	v25 =	vld [tilespmem:s15+$0x2800]  }
0x114: {  	v26 =	vld [tilespmem:s15+$0xA00];
	v1 =	vadd.f32 v1, v5  }
0x115: {  	v27 =	vld [tilespmem:s15+$0x2A00]  }
0x116: {  	v9 =	vld [tilespmem:s15+$0xC00];
	v0 =	vmul.f32 v2, v0;
	v28 =	vmul.f32 v7, v3;
	[tilespmem:s14+$0x4400] =	vst v1  }
0x117: {  	v1 =	vld [tilespmem:s15+$0x2C00]  }
0x118: {  	v29 =	vmul.f32 v25, v8;
	v30 =	vld [tilespmem:s15+$0xE00];
	v0 =	vadd.f32 v28, v0  }
0x119: {  	v31 =	vld [tilespmem:s15+$0x2E00]  }
0x11a: {  	v32 =	vmul.f32 v27, v26;
	v33 =	vld [tilespmem:s15+$0x1000];
	v0 =	vadd.f32 v29, v0  }
0x11b: {  	v34 =	vld [tilespmem:s15+$0x3000]  }
0x11c: {  	v35 =	vld [tilespmem:s15+$0x1200];
	v0 =	vadd.f32 v32, v0;
	v1 =	vmul.f32 v1, v9  }
0x11d: {  	v36 =	vld [tilespmem:s15+$0x3200]  }
0x11e: {  	v38 =	vld [tilespmem:s15+$0x1400];
	v37 =	vmul.f32 v31, v30;
	v0 =	vadd.f32 v1, v0  }
0x11f: {  	v39 =	vld [tilespmem:s15+$0x3400]  }
0x120: {  	v41 =	vld [tilespmem:s15+$0x1600];
	v40 =	vmul.f32 v34, v33;
	v0 =	vadd.f32 v37, v0  }
0x121: {  	v42 =	vld [tilespmem:s15+$0x3600]  }
0x122: {  	v44 =	vld [tilespmem:s15+$0x1800];
	v43 =	vmul.f32 v36, v35;
	v0 =	vadd.f32 v40, v0  }
0x123: {  	v45 =	vld [tilespmem:s15+$0x3800]  }
0x124: {  	v47 =	vld [tilespmem:s15+$0x1A00];
	v46 =	vmul.f32 v39, v38;
	v0 =	vadd.f32 v43, v0  }
0x125: {  	v48 =	vld [tilespmem:s15+$0x3A00]  }
0x126: {  	v50 =	vld [tilespmem:s15+$0x1C00];
	v49 =	vmul.f32 v42, v41;
	v0 =	vadd.f32 v46, v0  }
0x127: {  	v51 =	vld [tilespmem:s15+$0x3C00]  }
0x128: {  	v53 =	vld [tilespmem:s15+$0x1E00];
	v52 =	vmul.f32 v45, v44;
	v0 =	vadd.f32 v49, v0  }
0x129: {  	v54 =	vld [tilespmem:s15+$0x3E00]  }
0x12a: {  	v56 =	vld [tilespmem:s15+$0x2000];
	v55 =	vmul.f32 v48, v47;
	v0 =	vadd.f32 v52, v0  }
0x12b: {  	v57 =	vld [tilespmem:s15+$0x4000]  }
0x12c: {  	v59 =	vld [tilespmem:s15+$0x2200];
	v58 =	vmul.f32 v51, v50;
	v0 =	vadd.f32 v55, v0  }
0x12d: {  	v60 =	vld [tilespmem:s15+$0x4200]  }
0x12e: {  	v61 =	vmul.f32 v54, v53;
	v0 =	vadd.f32 v58, v0;
	_ =	sdelay $0x1  }
0x12f: {  	v62 =	vmul.f32 v57, v56;
	v0 =	vadd.f32 v61, v0;
	_ =	sdelay $0x1  }
0x130: {  	v63 =	vmul.f32 v60, v59;
	v0 =	vadd.f32 v62, v0;
	_ =	sdelay $0x1  }
0x131: {  	s13 =	sadd.s32 $0x1, s13;
	v0 =	vadd.f32 v63, v0  }
0x132: {  	p0 =	sne.s32 s13, s8  }
.Ltmp2:
0x133: {  	s16 =	simm.s32 $0x4400;
	[tilespmem:s15+$0x4400] =	vst v0;
	(pc) =	sbr.rel @p0 .LBB2_1-.Ltmp2, $4  }
0x134: {  	[hbm4b:s1+s2] =	stream.linear.scatter [tilespmem:s16], [sflag:$0x3], $0x200, $0x38;
	[tilespmem:$0x4600] =	vst v63  }
0x135: {  	_ =	swait.ge [sflag:s9], $0x200  }
0x136: {  	[sflag:s9] =	ssyncset.done $0x0  }
0x137: {  	[sflag:s9] =	ssyncadd.s32 $0xFFFFFE00  }
0x138: {  	_ =	sfence.sel $0x180000  }
0x139: {  	[bflag:$0x0] =	sbarrier.arrive $0xFFFF  }
0x13a: {  	_ =	strace $0x90000047  }
0x13b: {  	s0 =	stileid.u32;
	[bflag:$0x2] =	sbarrier.arrive $0xFFFF  }
0x13c: {  	p0 =	sne.s32 s0, $0x0;
	s0 =	rddreg [dreg:$0x2]  }
0x13d: {  	s0 =	sadd.s32 @!p0 $0x100000, s0  }
0x13e: {  	[sflag:s0] =	ssyncadd.tile.s32 @!p0 $0x1;
	_ =	shalt  }
.Lfunc_end2:
_tile_overlayer_lowered:
.L_overlay_start_2:
0x13f: {  	(tag) =	ssettag $0x2  }
0x140: {  	s0 =	rddreg [dreg:$0x0];
	s2 =	stileid.u32  }
0x141: {  	s1 =	rddreg [dreg:$0x1];
	p0 =	sne.s32 s2, $0x0  }
0x142: {  	s3 =	rddreg [dreg:$0x2];
	[bflag:$0x3] =	sbarrier.arrive $0xFFFF;
	s2 =	simm.s32 @!p0 $0x1C03  }
0x143: {  	[timem:s3], [sflag:s2] =	dma.local @!p0 [hbm:s0], s1  }
0x144: {  	s0 =	simm.s32 @!p0 $0x3  }
0x145: {  	_ =	swait.ge @!p0 [sflag:s0], s1  }
0x146: {  	s1 =	ssub.s32 @!p0 $0x0, s1;
	[sflag:s0] =	ssyncset.done @!p0 $0x0  }
0x147: {  	[sflag:s0] =	ssyncadd.s32 @!p0 s1  }
0x148: {  	[bflag:$0x3] =	sbarrier.arrive $0xFFFF  }
0x149: {  	_ =	shalt  }

</sc_bundles>
